<compile_context>
chip_gen: v7x
topology: tpu7x:2x2x1
jax: 0.10.2.dev20260603
libtpu: 0.0.44.dev20260713+nightly
codegen_flags: <defaults>
</compile_context>

<pallas_src>
import functools

import jax
import jax.numpy as jnp
from jax import lax
from jax.experimental import pallas as pl
from jax.experimental.pallas import tpu as pltpu
from jax.experimental.pallas import tpu_sc as plsc

N = 10000
E = 320000
D = 128
H = 128
HG = 64
P = 64
OC = 3
OS = 12
OUT = OC * OS

NC = 2
NS = 16
NW = NC * NS

K = 128
CH = 10240
NB = CH // K
NPAD = 10112
RPT = NPAD // NS
P2 = 128
RPT2 = P2 // NS
CNR = CH * NW // 128 // 128 * 0 + 80


def _sc_agg1_body(x_hbm, srcp, dstp, ddiv, dmod, ident, zagg, zcnt2d,
                  agg_out, cnt_out,
                  sidx0, didx0, dvi, dmi, rows0, oh,
                  sh_agg, sh_cnt, sh_id, sem0, sem1):
    c = lax.axis_index("c")
    s = lax.axis_index("s")
    tile = c * NS + s
    row0 = pl.multiple_of(s * RPT, 8)
    pltpu.sync_copy(zagg.at[pl.ds(row0, RPT)], sh_agg.at[pl.ds(row0, RPT)])
    rowc = pl.multiple_of(s * 8, 8)

    @pl.when(s < CNR // 8)
    def _():
        pltpu.sync_copy(zcnt2d.at[pl.ds(rowc, 8)], sh_cnt.at[pl.ds(rowc, 8)])

    @pl.when(s == 15)
    def _():
        pltpu.sync_copy(ident, sh_id)

    plsc.subcore_barrier()

    def step(j0, carry):
        base = pl.multiple_of(tile * CH + j0 * K, 8)
        pltpu.sync_copy(srcp.at[pl.ds(base, K)], sidx0)
        pltpu.sync_copy(dstp.at[pl.ds(base, K)], didx0)
        pltpu.sync_copy(ddiv.at[pl.ds(base, K)], dvi)
        pltpu.sync_copy(dmod.at[pl.ds(base, K)], dmi)
        cpx = pltpu.async_copy(x_hbm.at[sidx0], rows0, sem0)
        cpo = pltpu.async_copy(sh_id.at[dmi], oh, sem1)
        cpx.wait()
        pltpu.sync_copy(rows0, sh_agg.at[didx0], add=True)
        cpo.wait()
        pltpu.sync_copy(oh, sh_cnt.at[dvi], add=True)
        return carry

    lax.fori_loop(0, NB, step, 0)
    plsc.subcore_barrier()
    pltpu.sync_copy(sh_agg.at[pl.ds(row0, RPT)],
                    agg_out.at[c, pl.ds(row0, RPT)])

    @pl.when(s < CNR // 8)
    def _():
        pltpu.sync_copy(sh_cnt.at[pl.ds(rowc, 8)],
                        cnt_out.at[c, pl.ds(rowc, 8)])


def _sc_agg2_body(z_hbm, srcp, dstcp, zagg2,
                  agg_out,
                  sidx0, sidx1, didx0, didx1, rows0, rows1,
                  sh_agg, sem0, sem1):
    c = lax.axis_index("c")
    s = lax.axis_index("s")
    tile = c * NS + s
    row0 = pl.multiple_of(s * RPT2, 8)
    pltpu.sync_copy(zagg2.at[pl.ds(row0, RPT2)],
                    sh_agg.at[pl.ds(row0, RPT2)])
    plsc.subcore_barrier()

    def step(j2, carry):
        base = pl.multiple_of(tile * CH + j2 * 2 * K, 8)
        pltpu.sync_copy(srcp.at[pl.ds(base, K)], sidx0)
        pltpu.sync_copy(dstcp.at[pl.ds(base, K)], didx0)
        cp0 = pltpu.async_copy(z_hbm.at[sidx0], rows0, sem0)
        base1 = pl.multiple_of(base + K, 8)
        pltpu.sync_copy(srcp.at[pl.ds(base1, K)], sidx1)
        pltpu.sync_copy(dstcp.at[pl.ds(base1, K)], didx1)
        cp1 = pltpu.async_copy(z_hbm.at[sidx1], rows1, sem1)
        cp0.wait()
        pltpu.sync_copy(rows0, sh_agg.at[didx0], add=True)
        cp1.wait()
        pltpu.sync_copy(rows1, sh_agg.at[didx1], add=True)
        return carry

    lax.fori_loop(0, NB // 2, step, 0)
    plsc.subcore_barrier()
    pltpu.sync_copy(sh_agg.at[pl.ds(row0, RPT2)],
                    agg_out.at[c, pl.ds(row0, RPT2)])


@functools.cache
def _make_sc_kernels():
  mesh = plsc.VectorSubcoreMesh(core_axis_name="c", subcore_axis_name="s")
  sc_agg1 = pl.kernel(
    _sc_agg1_body,
    out_type=[
        jax.ShapeDtypeStruct((NC, NPAD, D), jnp.float32),
        jax.ShapeDtypeStruct((NC, CNR, 128), jnp.float32),
    ],
    mesh=mesh,
    scratch_types=[
        pltpu.VMEM((K,), jnp.int32),
        pltpu.VMEM((K,), jnp.int32),
        pltpu.VMEM((K,), jnp.int32),
        pltpu.VMEM((K,), jnp.int32),
        pltpu.VMEM((K, D), jnp.float32),
        pltpu.VMEM((K, 128), jnp.float32),
        pltpu.VMEM_SHARED((NPAD, D), jnp.float32),
        pltpu.VMEM_SHARED((CNR, 128), jnp.float32),
        pltpu.VMEM_SHARED((128, 128), jnp.float32),
        pltpu.SemaphoreType.DMA,
        pltpu.SemaphoreType.DMA,
    ],
  )

  sc_agg2 = pl.kernel(
    _sc_agg2_body,
    out_type=[jax.ShapeDtypeStruct((NC, P2, H), jnp.float32)],
    mesh=mesh,
    scratch_types=[
        pltpu.VMEM((K,), jnp.int32),
        pltpu.VMEM((K,), jnp.int32),
        pltpu.VMEM((K,), jnp.int32),
        pltpu.VMEM((K,), jnp.int32),
        pltpu.VMEM((K, H), jnp.float32),
        pltpu.VMEM((K, H), jnp.float32),
        pltpu.VMEM_SHARED((P2, H), jnp.float32),
        pltpu.SemaphoreType.DMA,
        pltpu.SemaphoreType.DMA,
    ],
  )
  return sc_agg1, sc_agg2



def _z1_body(agg_ref, cnt_ref, x_ref, w1l_ref, w1r_ref, b1l_ref, out_ref):
    agg = agg_ref[0] + agg_ref[1]
    cnt = jnp.sum(cnt_ref[...], axis=1)
    recip = 1.0 / jnp.maximum(cnt, 1.0)
    mean = agg * recip[:, None]
    z = (jnp.dot(mean, w1l_ref[...], preferred_element_type=jnp.float32)
         + jnp.dot(x_ref[...], w1r_ref[...], preferred_element_type=jnp.float32)
         + b1l_ref[...])
    out_ref[...] = jnp.maximum(z, 0.0)


_Z1_BLK = 400


def _z1_call(agg, cnt, x, W1l, W1r, b1l):
    grid = N // _Z1_BLK
    return pl.pallas_call(
        _z1_body,
        grid=(grid,),
        in_specs=[
            pl.BlockSpec((NC, _Z1_BLK, D), lambda i: (0, i, 0)),
            pl.BlockSpec((_Z1_BLK, NC), lambda i: (i, 0)),
            pl.BlockSpec((_Z1_BLK, D), lambda i: (i, 0)),
            pl.BlockSpec((D, H), lambda i: (0, 0)),
            pl.BlockSpec((D, H), lambda i: (0, 0)),
            pl.BlockSpec((1, H), lambda i: (0, 0)),
        ],
        out_specs=pl.BlockSpec((_Z1_BLK, H), lambda i: (i, 0)),
        out_shape=jax.ShapeDtypeStruct((N, H), jnp.float32),
    )(agg, cnt, x, W1l, W1r, b1l)


def _dec_body(agg2_ref, cnt_ref, z1p_ref, w2l_ref, w2r_ref, b2l_ref,
              wih_ref, bih_ref, bhh_ref,
              w0_ref, b0_ref, w1_ref, b1_ref, w2_ref, b2_ref, w3_ref, b3_ref,
              out_ref):
    aggsum = agg2_ref[:, 0, :] + agg2_ref[:, 1, :]
    cntp = jnp.sum(cnt_ref[0, 0, :])
    recip = 1.0 / jnp.maximum(cntp, 1.0)
    mean2 = aggsum * recip
    z1p = z1p_ref[0]
    z2 = (jnp.dot(mean2, w2l_ref[...], preferred_element_type=jnp.float32)
          + jnp.dot(z1p, w2r_ref[...], preferred_element_type=jnp.float32)
          + b2l_ref[0])
    gi = lax.dot_general(z2, wih_ref[0], (((1,), (1,)), ((), ())),
                         preferred_element_type=jnp.float32) + bih_ref[0]
    bhh = bhh_ref[0]
    r = jax.nn.sigmoid(gi[:, 0:HG] + bhh[:, 0:HG])
    zg = jax.nn.sigmoid(gi[:, HG:2 * HG] + bhh[:, HG:2 * HG])
    n = jnp.tanh(gi[:, 2 * HG:] + r * bhh[:, 2 * HG:])
    h = (1.0 - zg) * n
    o = jnp.maximum(jnp.dot(h, w0_ref[0], preferred_element_type=jnp.float32)
                    + b0_ref[0], 0.0)
    o = jnp.maximum(jnp.dot(o, w1_ref[0], preferred_element_type=jnp.float32)
                    + b1_ref[0], 0.0)
    o = jnp.maximum(jnp.dot(o, w2_ref[0], preferred_element_type=jnp.float32)
                    + b2_ref[0], 0.0)
    o = jnp.dot(o, w3_ref[0], preferred_element_type=jnp.float32) + b3_ref[0]
    out_ref[0] = o


def _dec_call(agg2t, cnt64t, z1p, W2l, W2r, b2l,
              gru_Wih, gru_bih, gru_bhh,
              mW0, mb0, mW1, mb1, mW2, mb2, mW3, mb3):
    def full3(a, b):
        return pl.BlockSpec((1, a, b), lambda p: (p, 0, 0))

    def bcast(shape):
        nd = len(shape)
        return pl.BlockSpec(shape, lambda p: (0,) * nd)

    return pl.pallas_call(
        _dec_body,
        grid=(P,),
        in_specs=[
            full3(NC, H),
            full3(1, NC),
            full3(1, H),
            bcast((D, H)),
            bcast((D, H)),
            bcast((1, H)),
            full3(3 * HG, H),
            full3(1, 3 * HG),
            full3(1, 3 * HG),
            full3(HG, 128),
            full3(1, 128),
            full3(128, 64),
            full3(1, 64),
            full3(64, 32),
            full3(1, 32),
            full3(32, OUT),
            full3(1, OUT),
        ],
        out_specs=pl.BlockSpec((1, 1, OUT), lambda p: (p, 0, 0)),
        out_shape=jax.ShapeDtypeStruct((P, 1, OUT), jnp.float32),
    )(agg2t, cnt64t, z1p, W2l, W2r, b2l.reshape(1, H),
      gru_Wih, gru_bih.reshape(P, 1, 3 * HG), gru_bhh.reshape(P, 1, 3 * HG),
      mW0, mb0.reshape(P, 1, 128), mW1, mb1.reshape(P, 1, 64),
      mW2, mb2.reshape(P, 1, 32), mW3, mb3.reshape(P, 1, OUT))



def kernel(x, edge_index, W1l, b1l, W1r, W2l, b2l, W2r,
           gru_Wih, gru_Whh, gru_bih, gru_bhh,
           mW0, mb0, mW1, mb1, mW2, mb2, mW3, mb3):
    src = edge_index[0].astype(jnp.int32)
    dst = edge_index[1].astype(jnp.int32)
    perw = E // NW
    pad = CH - perw
    src2 = src.reshape(NW, perw)
    dst2 = dst.reshape(NW, perw)
    srcp = jnp.concatenate(
        [src2, jnp.zeros((NW, pad), jnp.int32)], axis=1).reshape(NW * CH)
    dstp = jnp.concatenate(
        [dst2, jnp.full((NW, pad), N, jnp.int32)], axis=1).reshape(NW * CH)
    dstc2 = jnp.minimum(dst2, P)
    dstcp = jnp.concatenate(
        [dstc2, jnp.full((NW, pad), P, jnp.int32)], axis=1).reshape(NW * CH)

    ddiv = dstp // 128
    dmod = dstp % 128
    ident = jnp.eye(128, dtype=jnp.float32)
    zagg = jnp.zeros((NPAD, D), jnp.float32)
    zcnt2d = jnp.zeros((CNR, 128), jnp.float32)
    zagg2 = jnp.zeros((P2, H), jnp.float32)

    sc_agg1, sc_agg2 = _make_sc_kernels()
    agg, cnt3 = sc_agg1(x, srcp, dstp, ddiv, dmod, ident, zagg, zcnt2d)
    cntT = cnt3.reshape(NC, CNR * 128)[:, :N].T
    z1 = _z1_call(agg[:, :N], cntT, x, W1l, W1r, b1l.reshape(1, H))
    (agg2,) = sc_agg2(z1, srcp, dstcp, zagg2)

    agg2t = agg2[:, :P].transpose(1, 0, 2)
    cnt64t = cntT[:P].reshape(P, 1, NC)
    z1p = z1[:P].reshape(P, 1, H)
    out = _dec_call(agg2t, cnt64t, z1p, W2l, W2r, b2l,
                    gru_Wih, gru_bih, gru_bhh,
                    mW0, mb0, mW1, mb1, mW2, mb2, mW3, mb3)
    return out.reshape(P, OC, OS)

# --- scband reference (transcript-rebuilt; emitter-appended) ---
"""Pipeline reference for scband-multi-step-model-58016418234922 (READ-ONLY COPY).

The authoritative reference and input builder live on the scoring server;
editing this copy changes nothing except your own understanding.
"""

import jax, jax.numpy as jnp
import numpy as np

N = 10000
E = 320000
D = 128
H = 128
HG = 64
P = 64
OC = 3
OS = 12
OUT = OC * OS


def setup_inputs(seed: int = 0) -> dict:
    key = jax.random.key(seed)
    ks = jax.random.split(key, 16)
    s = 0.05
    inp = {}
    inp["x"] = jax.random.normal(ks[0], (N, D), dtype=jnp.float32)
    inp["edge_index"] = jax.random.randint(ks[1], (2, E), 0, N)
    # SAGEConv layer 1: lin_l (aggregated, with bias), lin_r (root, no bias)
    inp["W1l"] = jax.random.normal(ks[2], (D, H), dtype=jnp.float32) * s
    inp["b1l"] = jnp.zeros((H,), jnp.float32)
    inp["W1r"] = jax.random.normal(ks[3], (D, H), dtype=jnp.float32) * s
    # SAGEConv layer 2
    inp["W2l"] = jax.random.normal(ks[4], (H, H), dtype=jnp.float32) * s
    inp["b2l"] = jnp.zeros((H,), jnp.float32)
    inp["W2r"] = jax.random.normal(ks[5], (H, H), dtype=jnp.float32) * s
    # Per-part GRU params (P independent GRUs, torch layout: [3*HG, in])
    inp["gru_Wih"] = jax.random.normal(ks[6], (P, 3 * HG, H), dtype=jnp.float32) * s
    inp["gru_Whh"] = jax.random.normal(ks[7], (P, 3 * HG, HG), dtype=jnp.float32) * s
    inp["gru_bih"] = jnp.zeros((P, 3 * HG), jnp.float32)
    inp["gru_bhh"] = jnp.zeros((P, 3 * HG), jnp.float32)
    # Per-part MLP: HG -> 128 -> 64 -> 32 -> OC*OS
    inp["mW0"] = jax.random.normal(ks[8], (P, HG, 128), dtype=jnp.float32) * s
    inp["mb0"] = jnp.zeros((P, 128), jnp.float32)
    inp["mW1"] = jax.random.normal(ks[9], (P, 128, 64), dtype=jnp.float32) * s
    inp["mb1"] = jnp.zeros((P, 64), jnp.float32)
    inp["mW2"] = jax.random.normal(ks[10], (P, 64, 32), dtype=jnp.float32) * s
    inp["mb2"] = jnp.zeros((P, 32), jnp.float32)
    inp["mW3"] = jax.random.normal(ks[11], (P, 32, OUT), dtype=jnp.float32) * s
    inp["mb3"] = jnp.zeros((P, OUT), jnp.float32)
    return inp


def _sage(x, edge_index, Wl, bl, Wr):
    # PyG SAGEConv, aggr='mean': out = lin_l(mean_neigh) + lin_r(x)
    src = edge_index[0]
    dst = edge_index[1]
    msgs = x[src]
    agg = jax.ops.segment_sum(msgs, dst, num_segments=x.shape[0])
    cnt = jax.ops.segment_sum(jnp.ones((edge_index.shape[1],), x.dtype), dst, num_segments=x.shape[0])
    mean = agg / jnp.maximum(cnt, 1.0)[:, None]
    return mean @ Wl + bl + x @ Wr


def reference(x, edge_index, W1l, b1l, W1r, W2l, b2l, W2r, gru_Wih, gru_Whh, gru_bih, gru_bhh, mW0, mb0, mW1, mb1, mW2, mb2, mW3, mb3):
    # GNNEncoder (SAGEConv x2)
    z = jax.nn.relu(_sage(x, edge_index, W1l, b1l, W1r))
    z = _sage(z, edge_index, W2l, b2l, W2r)
    # MultistepDecoder over first P node embeddings ('PARTS')
    parts = z[:P]

    def per_part(pe, Wih, Whh, bih, bhh, w0, b0, w1, b1_, w2, b2_, w3, b3_):
        h0 = jnp.zeros((HG,), pe.dtype)
        gi = Wih @ pe + bih
        gh = Whh @ h0 + bhh
        ir, iz, inew = jnp.split(gi, 3)
        hr, hz, hn = jnp.split(gh, 3)
        r = jax.nn.sigmoid(ir + hr)
        zg = jax.nn.sigmoid(iz + hz)
        n = jnp.tanh(inew + r * hn)
        h = (1.0 - zg) * n + zg * h0
        o = jax.nn.relu(h @ w0 + b0)
        o = jax.nn.relu(o @ w1 + b1_)
        o = jax.nn.relu(o @ w2 + b2_)
        o = o @ w3 + b3_
        return o

    out = jax.vmap(per_part)(parts, gru_Wih, gru_Whh, gru_bih, gru_bhh, mW0, mb0, mW1, mb1, mW2, mb2, mW3, mb3)
    # out_channels > 1 -> view(len(z), out_channels, out_steps)
    return out.reshape(P, OC, OS)

if __name__ == "__main__":
    import jax
    _d = setup_inputs()
    print(jax.jit(kernel)(*tuple(_d.values())))

</pallas_src>

<mosaic_0001>
#map = affine_map<(d0, d1) -> (0, 0)>
#map1 = affine_map<(d0, d1) -> (0)>
#map2 = affine_map<(d0, d1) -> (0, 0, 0)>
module attributes {stable_mosaic.version = 14 : i64} {
  func.func @_sc_agg1_body(%arg0: i32, %arg1: i32, %arg2: memref<10000x128xf32, #tpu.memory_space<hbm>>, %arg3: memref<327680xi32, #tpu.memory_space<hbm>>, %arg4: memref<327680xi32, #tpu.memory_space<hbm>>, %arg5: memref<327680xi32, #tpu.memory_space<hbm>>, %arg6: memref<327680xi32, #tpu.memory_space<hbm>>, %arg7: memref<128x128xf32, #tpu.memory_space<hbm>>, %arg8: memref<10112x128xf32, #tpu.memory_space<hbm>>, %arg9: memref<80x128xf32, #tpu.memory_space<hbm>>, %arg10: memref<2x10112x128xf32, #tpu.memory_space<hbm>>, %arg11: memref<2x80x128xf32, #tpu.memory_space<hbm>>, %arg12: memref<128xi32, #tpu.memory_space<vmem>>, %arg13: memref<128xi32, #tpu.memory_space<vmem>>, %arg14: memref<128xi32, #tpu.memory_space<vmem>>, %arg15: memref<128xi32, #tpu.memory_space<vmem>>, %arg16: memref<128x128xf32, #tpu.memory_space<vmem>>, %arg17: memref<128x128xf32, #tpu.memory_space<vmem>>, %arg18: memref<10112x128xf32, #tpu.memory_space<vmem_shared>>, %arg19: memref<80x128xf32, #tpu.memory_space<vmem_shared>>, %arg20: memref<128x128xf32, #tpu.memory_space<vmem_shared>>, %arg21: memref<!tpu.dma_semaphore, #tpu.memory_space<semaphore_mem>>, %arg22: memref<!tpu.dma_semaphore, #tpu.memory_space<semaphore_mem>>) attributes {dimension_semantics = [#tpu.dimension_semantics<core_parallel>, #tpu.dimension_semantics<subcore_parallel>], iteration_bounds = array<i64: 2, 16>, scalar_prefetch = 0 : i64, scratch_operands = 11 : i64, tpu.core_type = #tpu.core_type<sc_vector_subcore>, window_params = [{transform_indices = #map}, {transform_indices = #map1}, {transform_indices = #map1}, {transform_indices = #map1}, {transform_indices = #map1}, {transform_indices = #map}, {transform_indices = #map}, {transform_indices = #map}, {transform_indices = #map2}, {transform_indices = #map2}]} {
    %mul3A = arith.constant 16 : i32
    %mul3A_0 = arith.muli %arg0, %mul3A : i32
    %add3A = arith.addi %mul3A_0, %arg1 : i32
    %mul3A_1 = arith.constant 632 : i32
    %mul3A_2 = arith.muli %arg1, %mul3A_1 : i32
    %multiple_of3A = tpu.assume_multiple %mul3A_2, 8 : i32
    "tpu.region"() ({
      %run_scoped3A = tpu.sem_alloc : memref<!tpu.dma_semaphore, #tpu.memory_space<semaphore_mem>>
      %dma_start3A = arith.constant 0 : i32
      %dma_start3A_23 = tpu.memref_slice %arg18[%multiple_of3A, %dma_start3A] : memref<10112x128xf32, #tpu.memory_space<vmem_shared>> -> memref<632x128xf32, #tpu.memory_space<vmem_shared>>
      %dma_start3A_24 = arith.constant 0 : i32
      %dma_start3A_25 = tpu.memref_slice %arg8[%multiple_of3A, %dma_start3A_24] : memref<10112x128xf32, #tpu.memory_space<hbm>> -> memref<632x128xf32, #tpu.memory_space<hbm>>
      tpu.enqueue_dma source(%dma_start3A_25 : memref<632x128xf32, #tpu.memory_space<hbm>>) target(%dma_start3A_23 : memref<632x128xf32, #tpu.memory_space<vmem_shared>>) target_semaphore(%run_scoped3A : memref<!tpu.dma_semaphore, #tpu.memory_space<semaphore_mem>>)
      %dma_wait3A = arith.constant 0 : i32
      %dma_wait3A_26 = tpu.memref_slice %arg18[%multiple_of3A, %dma_wait3A] : memref<10112x128xf32, #tpu.memory_space<vmem_shared>> -> memref<632x128xf32, #tpu.memory_space<vmem_shared>>
      %dma_wait3A_27 = arith.constant 0 : i32
      %dma_wait3A_28 = tpu.memref_slice %arg8[%multiple_of3A, %dma_wait3A_27] : memref<10112x128xf32, #tpu.memory_space<hbm>> -> memref<632x128xf32, #tpu.memory_space<hbm>>
      tpu.wait_dma2 semaphore(%run_scoped3A : memref<!tpu.dma_semaphore, #tpu.memory_space<semaphore_mem>>) src(%dma_wait3A_28 : memref<632x128xf32, #tpu.memory_space<hbm>>) dst(%dma_wait3A_26 : memref<632x128xf32, #tpu.memory_space<vmem_shared>>)
      tpu.yield
    }) : () -> ()
    %mul3A_3 = arith.constant 8 : i32
    %mul3A_4 = arith.muli %arg1, %mul3A_3 : i32
    %multiple_of3A_5 = tpu.assume_multiple %mul3A_4, 8 : i32
    %lt3A = arith.constant 10 : i32
    %lt3A_6 = arith.cmpi slt, %arg1, %lt3A : i32
    %convert_element_type3A = arith.extui %lt3A_6 : i1 to i32
    %cond3A = arith.constant 0 : i32
    %cond3A_7 = arith.cmpi ne, %convert_element_type3A, %cond3A : i32
    scf.if %cond3A_7 {
      "tpu.region"() ({
        %run_scoped3A = tpu.sem_alloc : memref<!tpu.dma_semaphore, #tpu.memory_space<semaphore_mem>>
        %dma_start3A = arith.constant 0 : i32
        %dma_start3A_23 = tpu.memref_slice %arg19[%multiple_of3A_5, %dma_start3A] : memref<80x128xf32, #tpu.memory_space<vmem_shared>> -> memref<8x128xf32, #tpu.memory_space<vmem_shared>>
        %dma_start3A_24 = arith.constant 0 : i32
        %dma_start3A_25 = tpu.memref_slice %arg9[%multiple_of3A_5, %dma_start3A_24] : memref<80x128xf32, #tpu.memory_space<hbm>> -> memref<8x128xf32, #tpu.memory_space<hbm>>
        tpu.enqueue_dma source(%dma_start3A_25 : memref<8x128xf32, #tpu.memory_space<hbm>>) target(%dma_start3A_23 : memref<8x128xf32, #tpu.memory_space<vmem_shared>>) target_semaphore(%run_scoped3A : memref<!tpu.dma_semaphore, #tpu.memory_space<semaphore_mem>>)
        %dma_wait3A = arith.constant 0 : i32
        %dma_wait3A_26 = tpu.memref_slice %arg19[%multiple_of3A_5, %dma_wait3A] : memref<80x128xf32, #tpu.memory_space<vmem_shared>> -> memref<8x128xf32, #tpu.memory_space<vmem_shared>>
        %dma_wait3A_27 = arith.constant 0 : i32
        %dma_wait3A_28 = tpu.memref_slice %arg9[%multiple_of3A_5, %dma_wait3A_27] : memref<80x128xf32, #tpu.memory_space<hbm>> -> memref<8x128xf32, #tpu.memory_space<hbm>>
        tpu.wait_dma2 semaphore(%run_scoped3A : memref<!tpu.dma_semaphore, #tpu.memory_space<semaphore_mem>>) src(%dma_wait3A_28 : memref<8x128xf32, #tpu.memory_space<hbm>>) dst(%dma_wait3A_26 : memref<8x128xf32, #tpu.memory_space<vmem_shared>>)
        tpu.yield
      }) : () -> ()
    } else {
    }
    %eq3A = arith.constant 15 : i32
    %eq3A_8 = arith.cmpi eq, %arg1, %eq3A : i32
    %convert_element_type3A_9 = arith.extui %eq3A_8 : i1 to i32
    %cond3A_10 = arith.constant 0 : i32
    %cond3A_11 = arith.cmpi ne, %convert_element_type3A_9, %cond3A_10 : i32
    scf.if %cond3A_11 {
      "tpu.region"() ({
        %run_scoped3A = tpu.sem_alloc : memref<!tpu.dma_semaphore, #tpu.memory_space<semaphore_mem>>
        tpu.enqueue_dma source(%arg7 : memref<128x128xf32, #tpu.memory_space<hbm>>) target(%arg20 : memref<128x128xf32, #tpu.memory_space<vmem_shared>>) target_semaphore(%run_scoped3A : memref<!tpu.dma_semaphore, #tpu.memory_space<semaphore_mem>>)
        tpu.wait_dma2 semaphore(%run_scoped3A : memref<!tpu.dma_semaphore, #tpu.memory_space<semaphore_mem>>) src(%arg7 : memref<128x128xf32, #tpu.memory_space<hbm>>) dst(%arg20 : memref<128x128xf32, #tpu.memory_space<vmem_shared>>)
        tpu.yield
      }) : () -> ()
    } else {
    }
    %barrier3A = arith.constant 0 : index
    tpu.barrier barrier_id(%barrier3A)
    %scan3A = arith.constant 0 : i32
    %scan3A_12 = arith.constant 0 : i32
    %scan3A_13 = arith.constant 80 : i32
    %scan3A_14 = arith.addi %scan3A_12, %scan3A_13 : i32
    %scan3A_15 = arith.constant 1 : i32
    scf.for %scan3A_23 = %scan3A_12 to %scan3A_14 step %scan3A_15  : i32 {
      %mul3A_24 = arith.constant 10240 : i32
      %mul3A_25 = arith.muli %add3A, %mul3A_24 : i32
      %mul3A_26 = arith.constant 128 : i32
      %mul3A_27 = arith.muli %scan3A_23, %mul3A_26 : i32
      %add3A_28 = arith.addi %mul3A_25, %mul3A_27 : i32
      %multiple_of3A_29 = tpu.assume_multiple %add3A_28, 8 : i32
      "tpu.region"() ({
        %run_scoped3A = tpu.sem_alloc : memref<!tpu.dma_semaphore, #tpu.memory_space<semaphore_mem>>
        %dma_start3A_40 = tpu.memref_slice %arg3[%multiple_of3A_29] : memref<327680xi32, #tpu.memory_space<hbm>> -> memref<128xi32, #tpu.memory_space<hbm>>
        %dma_start3A_41 = tpu.memref_slice %arg3[%multiple_of3A_29] : memref<327680xi32, #tpu.memory_space<hbm>> -> memref<128xi32, #tpu.memory_space<hbm>>
        tpu.enqueue_dma source(%dma_start3A_41 : memref<128xi32, #tpu.memory_space<hbm>>) target(%arg12 : memref<128xi32, #tpu.memory_space<vmem>>) target_semaphore(%run_scoped3A : memref<!tpu.dma_semaphore, #tpu.memory_space<semaphore_mem>>)
        %dma_wait3A_42 = tpu.memref_slice %arg3[%multiple_of3A_29] : memref<327680xi32, #tpu.memory_space<hbm>> -> memref<128xi32, #tpu.memory_space<hbm>>
        %dma_wait3A_43 = tpu.memref_slice %arg3[%multiple_of3A_29] : memref<327680xi32, #tpu.memory_space<hbm>> -> memref<128xi32, #tpu.memory_space<hbm>>
        tpu.wait_dma2 semaphore(%run_scoped3A : memref<!tpu.dma_semaphore, #tpu.memory_space<semaphore_mem>>) src(%dma_wait3A_43 : memref<128xi32, #tpu.memory_space<hbm>>) dst(%arg12 : memref<128xi32, #tpu.memory_space<vmem>>)
        tpu.yield
      }) : () -> ()
      "tpu.region"() ({
        %run_scoped3A = tpu.sem_alloc : memref<!tpu.dma_semaphore, #tpu.memory_space<semaphore_mem>>
        %dma_start3A_40 = tpu.memref_slice %arg4[%multiple_of3A_29] : memref<327680xi32, #tpu.memory_space<hbm>> -> memref<128xi32, #tpu.memory_space<hbm>>
        %dma_start3A_41 = tpu.memref_slice %arg4[%multiple_of3A_29] : memref<327680xi32, #tpu.memory_space<hbm>> -> memref<128xi32, #tpu.memory_space<hbm>>
        tpu.enqueue_dma source(%dma_start3A_41 : memref<128xi32, #tpu.memory_space<hbm>>) target(%arg13 : memref<128xi32, #tpu.memory_space<vmem>>) target_semaphore(%run_scoped3A : memref<!tpu.dma_semaphore, #tpu.memory_space<semaphore_mem>>)
        %dma_wait3A_42 = tpu.memref_slice %arg4[%multiple_of3A_29] : memref<327680xi32, #tpu.memory_space<hbm>> -> memref<128xi32, #tpu.memory_space<hbm>>
        %dma_wait3A_43 = tpu.memref_slice %arg4[%multiple_of3A_29] : memref<327680xi32, #tpu.memory_space<hbm>> -> memref<128xi32, #tpu.memory_space<hbm>>
        tpu.wait_dma2 semaphore(%run_scoped3A : memref<!tpu.dma_semaphore, #tpu.memory_space<semaphore_mem>>) src(%dma_wait3A_43 : memref<128xi32, #tpu.memory_space<hbm>>) dst(%arg13 : memref<128xi32, #tpu.memory_space<vmem>>)
        tpu.yield
      }) : () -> ()
      "tpu.region"() ({
        %run_scoped3A = tpu.sem_alloc : memref<!tpu.dma_semaphore, #tpu.memory_space<semaphore_mem>>
        %dma_start3A_40 = tpu.memref_slice %arg5[%multiple_of3A_29] : memref<327680xi32, #tpu.memory_space<hbm>> -> memref<128xi32, #tpu.memory_space<hbm>>
        %dma_start3A_41 = tpu.memref_slice %arg5[%multiple_of3A_29] : memref<327680xi32, #tpu.memory_space<hbm>> -> memref<128xi32, #tpu.memory_space<hbm>>
        tpu.enqueue_dma source(%dma_start3A_41 : memref<128xi32, #tpu.memory_space<hbm>>) target(%arg14 : memref<128xi32, #tpu.memory_space<vmem>>) target_semaphore(%run_scoped3A : memref<!tpu.dma_semaphore, #tpu.memory_space<semaphore_mem>>)
        %dma_wait3A_42 = tpu.memref_slice %arg5[%multiple_of3A_29] : memref<327680xi32, #tpu.memory_space<hbm>> -> memref<128xi32, #tpu.memory_space<hbm>>
        %dma_wait3A_43 = tpu.memref_slice %arg5[%multiple_of3A_29] : memref<327680xi32, #tpu.memory_space<hbm>> -> memref<128xi32, #tpu.memory_space<hbm>>
        tpu.wait_dma2 semaphore(%run_scoped3A : memref<!tpu.dma_semaphore, #tpu.memory_space<semaphore_mem>>) src(%dma_wait3A_43 : memref<128xi32, #tpu.memory_space<hbm>>) dst(%arg14 : memref<128xi32, #tpu.memory_space<vmem>>)
        tpu.yield
      }) : () -> ()
      "tpu.region"() ({
        %run_scoped3A = tpu.sem_alloc : memref<!tpu.dma_semaphore, #tpu.memory_space<semaphore_mem>>
        %dma_start3A_40 = tpu.memref_slice %arg6[%multiple_of3A_29] : memref<327680xi32, #tpu.memory_space<hbm>> -> memref<128xi32, #tpu.memory_space<hbm>>
        %dma_start3A_41 = tpu.memref_slice %arg6[%multiple_of3A_29] : memref<327680xi32, #tpu.memory_space<hbm>> -> memref<128xi32, #tpu.memory_space<hbm>>
        tpu.enqueue_dma source(%dma_start3A_41 : memref<128xi32, #tpu.memory_space<hbm>>) target(%arg15 : memref<128xi32, #tpu.memory_space<vmem>>) target_semaphore(%run_scoped3A : memref<!tpu.dma_semaphore, #tpu.memory_space<semaphore_mem>>)
        %dma_wait3A_42 = tpu.memref_slice %arg6[%multiple_of3A_29] : memref<327680xi32, #tpu.memory_space<hbm>> -> memref<128xi32, #tpu.memory_space<hbm>>
        %dma_wait3A_43 = tpu.memref_slice %arg6[%multiple_of3A_29] : memref<327680xi32, #tpu.memory_space<hbm>> -> memref<128xi32, #tpu.memory_space<hbm>>
        tpu.wait_dma2 semaphore(%run_scoped3A : memref<!tpu.dma_semaphore, #tpu.memory_space<semaphore_mem>>) src(%dma_wait3A_43 : memref<128xi32, #tpu.memory_space<hbm>>) dst(%arg15 : memref<128xi32, #tpu.memory_space<vmem>>)
        tpu.yield
      }) : () -> ()
      %dma_start3A = arith.constant 0 : i32
      %dma_start3A_30 = arith.constant 0 : i32
      %dma_start3A_31 = tpu.memref_slice %arg2[%dma_start3A, %dma_start3A_30] : memref<10000x128xf32, #tpu.memory_space<hbm>> -> memref<10000x128xf32, #tpu.memory_space<hbm>>
      tpu.enqueue_indirect_dma source(%dma_start3A_31 : memref<10000x128xf32, #tpu.memory_space<hbm>>) target(%arg16 : memref<128x128xf32, #tpu.memory_space<vmem>>) offsets(%arg12 : memref<128xi32, #tpu.memory_space<vmem>>) semaphore(%arg21 : memref<!tpu.dma_semaphore, #tpu.memory_space<semaphore_mem>>)
      %dma_start3A_32 = arith.constant 0 : i32
      %dma_start3A_33 = arith.constant 0 : i32
      %dma_start3A_34 = tpu.memref_slice %arg20[%dma_start3A_32, %dma_start3A_33] : memref<128x128xf32, #tpu.memory_space<vmem_shared>> -> memref<128x128xf32, #tpu.memory_space<vmem_shared>>
      tpu.enqueue_indirect_dma source(%dma_start3A_34 : memref<128x128xf32, #tpu.memory_space<vmem_shared>>) target(%arg17 : memref<128x128xf32, #tpu.memory_space<vmem>>) offsets(%arg15 : memref<128xi32, #tpu.memory_space<vmem>>) semaphore(%arg22 : memref<!tpu.dma_semaphore, #tpu.memory_space<semaphore_mem>>)
      %dma_wait3A = arith.constant 0 : i32
      %dma_wait3A_35 = arith.constant 0 : i32
      %dma_wait3A_36 = tpu.memref_slice %arg2[%dma_wait3A, %dma_wait3A_35] : memref<10000x128xf32, #tpu.memory_space<hbm>> -> memref<10000x128xf32, #tpu.memory_space<hbm>>
      tpu.wait_indirect_dma semaphore(%arg21 : memref<!tpu.dma_semaphore, #tpu.memory_space<semaphore_mem>>) src(%dma_wait3A_36 : memref<10000x128xf32, #tpu.memory_space<hbm>>) dst(%arg16 : memref<128x128xf32, #tpu.memory_space<vmem>>)
      "tpu.region"() ({
        %run_scoped3A = tpu.sem_alloc : memref<!tpu.dma_semaphore, #tpu.memory_space<semaphore_mem>>
        %dma_start3A_40 = arith.constant 0 : i32
        %dma_start3A_41 = arith.constant 0 : i32
        %dma_start3A_42 = tpu.memref_slice %arg18[%dma_start3A_40, %dma_start3A_41] : memref<10112x128xf32, #tpu.memory_space<vmem_shared>> -> memref<10112x128xf32, #tpu.memory_space<vmem_shared>>
        tpu.enqueue_indirect_dma source(%arg16 : memref<128x128xf32, #tpu.memory_space<vmem>>) target(%dma_start3A_42 : memref<10112x128xf32, #tpu.memory_space<vmem_shared>>) offsets(%arg13 : memref<128xi32, #tpu.memory_space<vmem>>) semaphore(%run_scoped3A : memref<!tpu.dma_semaphore, #tpu.memory_space<semaphore_mem>>) {add = true}
        %dma_wait3A_43 = arith.constant 0 : i32
        %dma_wait3A_44 = arith.constant 0 : i32
        %dma_wait3A_45 = tpu.memref_slice %arg18[%dma_wait3A_43, %dma_wait3A_44] : memref<10112x128xf32, #tpu.memory_space<vmem_shared>> -> memref<10112x128xf32, #tpu.memory_space<vmem_shared>>
        tpu.wait_indirect_dma semaphore(%run_scoped3A : memref<!tpu.dma_semaphore, #tpu.memory_space<semaphore_mem>>) src(%arg16 : memref<128x128xf32, #tpu.memory_space<vmem>>) dst(%dma_wait3A_45 : memref<10112x128xf32, #tpu.memory_space<vmem_shared>>)
        tpu.yield
      }) : () -> ()
      %dma_wait3A_37 = arith.constant 0 : i32
      %dma_wait3A_38 = arith.constant 0 : i32
      %dma_wait3A_39 = tpu.memref_slice %arg20[%dma_wait3A_37, %dma_wait3A_38] : memref<128x128xf32, #tpu.memory_space<vmem_shared>> -> memref<128x128xf32, #tpu.memory_space<vmem_shared>>
      tpu.wait_indirect_dma semaphore(%arg22 : memref<!tpu.dma_semaphore, #tpu.memory_space<semaphore_mem>>) src(%dma_wait3A_39 : memref<128x128xf32, #tpu.memory_space<vmem_shared>>) dst(%arg17 : memref<128x128xf32, #tpu.memory_space<vmem>>)
      "tpu.region"() ({
        %run_scoped3A = tpu.sem_alloc : memref<!tpu.dma_semaphore, #tpu.memory_space<semaphore_mem>>
        %dma_start3A_40 = arith.constant 0 : i32
        %dma_start3A_41 = arith.constant 0 : i32
        %dma_start3A_42 = tpu.memref_slice %arg19[%dma_start3A_40, %dma_start3A_41] : memref<80x128xf32, #tpu.memory_space<vmem_shared>> -> memref<80x128xf32, #tpu.memory_space<vmem_shared>>
        tpu.enqueue_indirect_dma source(%arg17 : memref<128x128xf32, #tpu.memory_space<vmem>>) target(%dma_start3A_42 : memref<80x128xf32, #tpu.memory_space<vmem_shared>>) offsets(%arg14 : memref<128xi32, #tpu.memory_space<vmem>>) semaphore(%run_scoped3A : memref<!tpu.dma_semaphore, #tpu.memory_space<semaphore_mem>>) {add = true}
        %dma_wait3A_43 = arith.constant 0 : i32
        %dma_wait3A_44 = arith.constant 0 : i32
        %dma_wait3A_45 = tpu.memref_slice %arg19[%dma_wait3A_43, %dma_wait3A_44] : memref<80x128xf32, #tpu.memory_space<vmem_shared>> -> memref<80x128xf32, #tpu.memory_space<vmem_shared>>
        tpu.wait_indirect_dma semaphore(%run_scoped3A : memref<!tpu.dma_semaphore, #tpu.memory_space<semaphore_mem>>) src(%arg17 : memref<128x128xf32, #tpu.memory_space<vmem>>) dst(%dma_wait3A_45 : memref<80x128xf32, #tpu.memory_space<vmem_shared>>)
        tpu.yield
      }) : () -> ()
    }
    %scan3A_16 = arith.constant 80 : i32
    %barrier3A_17 = arith.constant 0 : index
    tpu.barrier barrier_id(%barrier3A_17)
    "tpu.region"() ({
      %run_scoped3A = tpu.sem_alloc : memref<!tpu.dma_semaphore, #tpu.memory_space<semaphore_mem>>
      %dma_start3A = arith.constant 0 : i32
      %dma_start3A_23 = tpu.memref_slice %arg10[%arg0, %multiple_of3A, %dma_start3A] : memref<2x10112x128xf32, #tpu.memory_space<hbm>> -> memref<1x632x128xf32, #tpu.memory_space<hbm>>
      %dma_start3A_24 = tpu.memref_squeeze %dma_start3A_23 : memref<1x632x128xf32, #tpu.memory_space<hbm>> -> memref<632x128xf32, #tpu.memory_space<hbm>>
      %dma_start3A_25 = arith.constant 0 : i32
      %dma_start3A_26 = tpu.memref_slice %arg18[%multiple_of3A, %dma_start3A_25] : memref<10112x128xf32, #tpu.memory_space<vmem_shared>> -> memref<632x128xf32, #tpu.memory_space<vmem_shared>>
      tpu.enqueue_dma source(%dma_start3A_26 : memref<632x128xf32, #tpu.memory_space<vmem_shared>>) target(%dma_start3A_24 : memref<632x128xf32, #tpu.memory_space<hbm>>) target_semaphore(%run_scoped3A : memref<!tpu.dma_semaphore, #tpu.memory_space<semaphore_mem>>)
      %dma_wait3A = arith.constant 0 : i32
      %dma_wait3A_27 = tpu.memref_slice %arg10[%arg0, %multiple_of3A, %dma_wait3A] : memref<2x10112x128xf32, #tpu.memory_space<hbm>> -> memref<1x632x128xf32, #tpu.memory_space<hbm>>
      %dma_wait3A_28 = tpu.memref_squeeze %dma_wait3A_27 : memref<1x632x128xf32, #tpu.memory_space<hbm>> -> memref<632x128xf32, #tpu.memory_space<hbm>>
      %dma_wait3A_29 = arith.constant 0 : i32
      %dma_wait3A_30 = tpu.memref_slice %arg18[%multiple_of3A, %dma_wait3A_29] : memref<10112x128xf32, #tpu.memory_space<vmem_shared>> -> memref<632x128xf32, #tpu.memory_space<vmem_shared>>
      tpu.wait_dma2 semaphore(%run_scoped3A : memref<!tpu.dma_semaphore, #tpu.memory_space<semaphore_mem>>) src(%dma_wait3A_30 : memref<632x128xf32, #tpu.memory_space<vmem_shared>>) dst(%dma_wait3A_28 : memref<632x128xf32, #tpu.memory_space<hbm>>)
      tpu.yield
    }) : () -> ()
    %lt3A_18 = arith.constant 10 : i32
    %lt3A_19 = arith.cmpi slt, %arg1, %lt3A_18 : i32
    %convert_element_type3A_20 = arith.extui %lt3A_19 : i1 to i32
    %cond3A_21 = arith.constant 0 : i32
    %cond3A_22 = arith.cmpi ne, %convert_element_type3A_20, %cond3A_21 : i32
    scf.if %cond3A_22 {
      "tpu.region"() ({
        %run_scoped3A = tpu.sem_alloc : memref<!tpu.dma_semaphore, #tpu.memory_space<semaphore_mem>>
        %dma_start3A = arith.constant 0 : i32
        %dma_start3A_23 = tpu.memref_slice %arg11[%arg0, %multiple_of3A_5, %dma_start3A] : memref<2x80x128xf32, #tpu.memory_space<hbm>> -> memref<1x8x128xf32, #tpu.memory_space<hbm>>
        %dma_start3A_24 = tpu.memref_squeeze %dma_start3A_23 : memref<1x8x128xf32, #tpu.memory_space<hbm>> -> memref<8x128xf32, #tpu.memory_space<hbm>>
        %dma_start3A_25 = arith.constant 0 : i32
        %dma_start3A_26 = tpu.memref_slice %arg19[%multiple_of3A_5, %dma_start3A_25] : memref<80x128xf32, #tpu.memory_space<vmem_shared>> -> memref<8x128xf32, #tpu.memory_space<vmem_shared>>
        tpu.enqueue_dma source(%dma_start3A_26 : memref<8x128xf32, #tpu.memory_space<vmem_shared>>) target(%dma_start3A_24 : memref<8x128xf32, #tpu.memory_space<hbm>>) target_semaphore(%run_scoped3A : memref<!tpu.dma_semaphore, #tpu.memory_space<semaphore_mem>>)
        %dma_wait3A = arith.constant 0 : i32
        %dma_wait3A_27 = tpu.memref_slice %arg11[%arg0, %multiple_of3A_5, %dma_wait3A] : memref<2x80x128xf32, #tpu.memory_space<hbm>> -> memref<1x8x128xf32, #tpu.memory_space<hbm>>
        %dma_wait3A_28 = tpu.memref_squeeze %dma_wait3A_27 : memref<1x8x128xf32, #tpu.memory_space<hbm>> -> memref<8x128xf32, #tpu.memory_space<hbm>>
        %dma_wait3A_29 = arith.constant 0 : i32
        %dma_wait3A_30 = tpu.memref_slice %arg19[%multiple_of3A_5, %dma_wait3A_29] : memref<80x128xf32, #tpu.memory_space<vmem_shared>> -> memref<8x128xf32, #tpu.memory_space<vmem_shared>>
        tpu.wait_dma2 semaphore(%run_scoped3A : memref<!tpu.dma_semaphore, #tpu.memory_space<semaphore_mem>>) src(%dma_wait3A_30 : memref<8x128xf32, #tpu.memory_space<vmem_shared>>) dst(%dma_wait3A_28 : memref<8x128xf32, #tpu.memory_space<hbm>>)
        tpu.yield
      }) : () -> ()
    } else {
    }
    return
  }
}

#map = affine_map<(d0, d1) -> (0, 0)>
#map1 = affine_map<(d0, d1) -> (0)>
#map2 = affine_map<(d0, d1) -> (0, 0, 0)>
module attributes {stable_mosaic.version = 14 : i64} {
  func.func @_sc_agg2_body(%arg0: i32, %arg1: i32, %arg2: memref<10000x128xf32, #tpu.memory_space<hbm>>, %arg3: memref<327680xi32, #tpu.memory_space<hbm>>, %arg4: memref<327680xi32, #tpu.memory_space<hbm>>, %arg5: memref<128x128xf32, #tpu.memory_space<hbm>>, %arg6: memref<2x128x128xf32, #tpu.memory_space<hbm>>, %arg7: memref<128xi32, #tpu.memory_space<vmem>>, %arg8: memref<128xi32, #tpu.memory_space<vmem>>, %arg9: memref<128xi32, #tpu.memory_space<vmem>>, %arg10: memref<128xi32, #tpu.memory_space<vmem>>, %arg11: memref<128x128xf32, #tpu.memory_space<vmem>>, %arg12: memref<128x128xf32, #tpu.memory_space<vmem>>, %arg13: memref<128x128xf32, #tpu.memory_space<vmem_shared>>, %arg14: memref<!tpu.dma_semaphore, #tpu.memory_space<semaphore_mem>>, %arg15: memref<!tpu.dma_semaphore, #tpu.memory_space<semaphore_mem>>) attributes {dimension_semantics = [#tpu.dimension_semantics<core_parallel>, #tpu.dimension_semantics<subcore_parallel>], iteration_bounds = array<i64: 2, 16>, scalar_prefetch = 0 : i64, scratch_operands = 9 : i64, tpu.core_type = #tpu.core_type<sc_vector_subcore>, window_params = [{transform_indices = #map}, {transform_indices = #map1}, {transform_indices = #map1}, {transform_indices = #map}, {transform_indices = #map2}]} {
    %mul3A = arith.constant 16 : i32
    %mul3A_0 = arith.muli %arg0, %mul3A : i32
    %add3A = arith.addi %mul3A_0, %arg1 : i32
    %mul3A_1 = arith.constant 8 : i32
    %mul3A_2 = arith.muli %arg1, %mul3A_1 : i32
    %multiple_of3A = tpu.assume_multiple %mul3A_2, 8 : i32
    "tpu.region"() ({
      %run_scoped3A = tpu.sem_alloc : memref<!tpu.dma_semaphore, #tpu.memory_space<semaphore_mem>>
      %dma_start3A = arith.constant 0 : i32
      %dma_start3A_9 = tpu.memref_slice %arg13[%multiple_of3A, %dma_start3A] : memref<128x128xf32, #tpu.memory_space<vmem_shared>> -> memref<8x128xf32, #tpu.memory_space<vmem_shared>>
      %dma_start3A_10 = arith.constant 0 : i32
      %dma_start3A_11 = tpu.memref_slice %arg5[%multiple_of3A, %dma_start3A_10] : memref<128x128xf32, #tpu.memory_space<hbm>> -> memref<8x128xf32, #tpu.memory_space<hbm>>
      tpu.enqueue_dma source(%dma_start3A_11 : memref<8x128xf32, #tpu.memory_space<hbm>>) target(%dma_start3A_9 : memref<8x128xf32, #tpu.memory_space<vmem_shared>>) target_semaphore(%run_scoped3A : memref<!tpu.dma_semaphore, #tpu.memory_space<semaphore_mem>>)
      %dma_wait3A = arith.constant 0 : i32
      %dma_wait3A_12 = tpu.memref_slice %arg13[%multiple_of3A, %dma_wait3A] : memref<128x128xf32, #tpu.memory_space<vmem_shared>> -> memref<8x128xf32, #tpu.memory_space<vmem_shared>>
      %dma_wait3A_13 = arith.constant 0 : i32
      %dma_wait3A_14 = tpu.memref_slice %arg5[%multiple_of3A, %dma_wait3A_13] : memref<128x128xf32, #tpu.memory_space<hbm>> -> memref<8x128xf32, #tpu.memory_space<hbm>>
      tpu.wait_dma2 semaphore(%run_scoped3A : memref<!tpu.dma_semaphore, #tpu.memory_space<semaphore_mem>>) src(%dma_wait3A_14 : memref<8x128xf32, #tpu.memory_space<hbm>>) dst(%dma_wait3A_12 : memref<8x128xf32, #tpu.memory_space<vmem_shared>>)
      tpu.yield
    }) : () -> ()
    %barrier3A = arith.constant 0 : index
    tpu.barrier barrier_id(%barrier3A)
    %scan3A = arith.constant 0 : i32
    %scan3A_3 = arith.constant 0 : i32
    %scan3A_4 = arith.constant 40 : i32
    %scan3A_5 = arith.addi %scan3A_3, %scan3A_4 : i32
    %scan3A_6 = arith.constant 1 : i32
    scf.for %scan3A_9 = %scan3A_3 to %scan3A_5 step %scan3A_6  : i32 {
      %mul3A_10 = arith.constant 10240 : i32
      %mul3A_11 = arith.muli %add3A, %mul3A_10 : i32
      %mul3A_12 = arith.constant 2 : i32
      %mul3A_13 = arith.muli %scan3A_9, %mul3A_12 : i32
      %mul3A_14 = arith.constant 128 : i32
      %mul3A_15 = arith.muli %mul3A_13, %mul3A_14 : i32
      %add3A_16 = arith.addi %mul3A_11, %mul3A_15 : i32
      %multiple_of3A_17 = tpu.assume_multiple %add3A_16, 8 : i32
      "tpu.region"() ({
        %run_scoped3A = tpu.sem_alloc : memref<!tpu.dma_semaphore, #tpu.memory_space<semaphore_mem>>
        %dma_start3A_31 = tpu.memref_slice %arg3[%multiple_of3A_17] : memref<327680xi32, #tpu.memory_space<hbm>> -> memref<128xi32, #tpu.memory_space<hbm>>
        %dma_start3A_32 = tpu.memref_slice %arg3[%multiple_of3A_17] : memref<327680xi32, #tpu.memory_space<hbm>> -> memref<128xi32, #tpu.memory_space<hbm>>
        tpu.enqueue_dma source(%dma_start3A_32 : memref<128xi32, #tpu.memory_space<hbm>>) target(%arg7 : memref<128xi32, #tpu.memory_space<vmem>>) target_semaphore(%run_scoped3A : memref<!tpu.dma_semaphore, #tpu.memory_space<semaphore_mem>>)
        %dma_wait3A_33 = tpu.memref_slice %arg3[%multiple_of3A_17] : memref<327680xi32, #tpu.memory_space<hbm>> -> memref<128xi32, #tpu.memory_space<hbm>>
        %dma_wait3A_34 = tpu.memref_slice %arg3[%multiple_of3A_17] : memref<327680xi32, #tpu.memory_space<hbm>> -> memref<128xi32, #tpu.memory_space<hbm>>
        tpu.wait_dma2 semaphore(%run_scoped3A : memref<!tpu.dma_semaphore, #tpu.memory_space<semaphore_mem>>) src(%dma_wait3A_34 : memref<128xi32, #tpu.memory_space<hbm>>) dst(%arg7 : memref<128xi32, #tpu.memory_space<vmem>>)
        tpu.yield
      }) : () -> ()
      "tpu.region"() ({
        %run_scoped3A = tpu.sem_alloc : memref<!tpu.dma_semaphore, #tpu.memory_space<semaphore_mem>>
        %dma_start3A_31 = tpu.memref_slice %arg4[%multiple_of3A_17] : memref<327680xi32, #tpu.memory_space<hbm>> -> memref<128xi32, #tpu.memory_space<hbm>>
        %dma_start3A_32 = tpu.memref_slice %arg4[%multiple_of3A_17] : memref<327680xi32, #tpu.memory_space<hbm>> -> memref<128xi32, #tpu.memory_space<hbm>>
        tpu.enqueue_dma source(%dma_start3A_32 : memref<128xi32, #tpu.memory_space<hbm>>) target(%arg9 : memref<128xi32, #tpu.memory_space<vmem>>) target_semaphore(%run_scoped3A : memref<!tpu.dma_semaphore, #tpu.memory_space<semaphore_mem>>)
        %dma_wait3A_33 = tpu.memref_slice %arg4[%multiple_of3A_17] : memref<327680xi32, #tpu.memory_space<hbm>> -> memref<128xi32, #tpu.memory_space<hbm>>
        %dma_wait3A_34 = tpu.memref_slice %arg4[%multiple_of3A_17] : memref<327680xi32, #tpu.memory_space<hbm>> -> memref<128xi32, #tpu.memory_space<hbm>>
        tpu.wait_dma2 semaphore(%run_scoped3A : memref<!tpu.dma_semaphore, #tpu.memory_space<semaphore_mem>>) src(%dma_wait3A_34 : memref<128xi32, #tpu.memory_space<hbm>>) dst(%arg9 : memref<128xi32, #tpu.memory_space<vmem>>)
        tpu.yield
      }) : () -> ()
      %dma_start3A = arith.constant 0 : i32
      %dma_start3A_18 = arith.constant 0 : i32
      %dma_start3A_19 = tpu.memref_slice %arg2[%dma_start3A, %dma_start3A_18] : memref<10000x128xf32, #tpu.memory_space<hbm>> -> memref<10000x128xf32, #tpu.memory_space<hbm>>
      tpu.enqueue_indirect_dma source(%dma_start3A_19 : memref<10000x128xf32, #tpu.memory_space<hbm>>) target(%arg11 : memref<128x128xf32, #tpu.memory_space<vmem>>) offsets(%arg7 : memref<128xi32, #tpu.memory_space<vmem>>) semaphore(%arg14 : memref<!tpu.dma_semaphore, #tpu.memory_space<semaphore_mem>>)
      %add3A_20 = arith.constant 128 : i32
      %add3A_21 = arith.addi %multiple_of3A_17, %add3A_20 : i32
      %multiple_of3A_22 = tpu.assume_multiple %add3A_21, 8 : i32
      "tpu.region"() ({
        %run_scoped3A = tpu.sem_alloc : memref<!tpu.dma_semaphore, #tpu.memory_space<semaphore_mem>>
        %dma_start3A_31 = tpu.memref_slice %arg3[%multiple_of3A_22] : memref<327680xi32, #tpu.memory_space<hbm>> -> memref<128xi32, #tpu.memory_space<hbm>>
        %dma_start3A_32 = tpu.memref_slice %arg3[%multiple_of3A_22] : memref<327680xi32, #tpu.memory_space<hbm>> -> memref<128xi32, #tpu.memory_space<hbm>>
        tpu.enqueue_dma source(%dma_start3A_32 : memref<128xi32, #tpu.memory_space<hbm>>) target(%arg8 : memref<128xi32, #tpu.memory_space<vmem>>) target_semaphore(%run_scoped3A : memref<!tpu.dma_semaphore, #tpu.memory_space<semaphore_mem>>)
        %dma_wait3A_33 = tpu.memref_slice %arg3[%multiple_of3A_22] : memref<327680xi32, #tpu.memory_space<hbm>> -> memref<128xi32, #tpu.memory_space<hbm>>
        %dma_wait3A_34 = tpu.memref_slice %arg3[%multiple_of3A_22] : memref<327680xi32, #tpu.memory_space<hbm>> -> memref<128xi32, #tpu.memory_space<hbm>>
        tpu.wait_dma2 semaphore(%run_scoped3A : memref<!tpu.dma_semaphore, #tpu.memory_space<semaphore_mem>>) src(%dma_wait3A_34 : memref<128xi32, #tpu.memory_space<hbm>>) dst(%arg8 : memref<128xi32, #tpu.memory_space<vmem>>)
        tpu.yield
      }) : () -> ()
      "tpu.region"() ({
        %run_scoped3A = tpu.sem_alloc : memref<!tpu.dma_semaphore, #tpu.memory_space<semaphore_mem>>
        %dma_start3A_31 = tpu.memref_slice %arg4[%multiple_of3A_22] : memref<327680xi32, #tpu.memory_space<hbm>> -> memref<128xi32, #tpu.memory_space<hbm>>
        %dma_start3A_32 = tpu.memref_slice %arg4[%multiple_of3A_22] : memref<327680xi32, #tpu.memory_space<hbm>> -> memref<128xi32, #tpu.memory_space<hbm>>
        tpu.enqueue_dma source(%dma_start3A_32 : memref<128xi32, #tpu.memory_space<hbm>>) target(%arg10 : memref<128xi32, #tpu.memory_space<vmem>>) target_semaphore(%run_scoped3A : memref<!tpu.dma_semaphore, #tpu.memory_space<semaphore_mem>>)
        %dma_wait3A_33 = tpu.memref_slice %arg4[%multiple_of3A_22] : memref<327680xi32, #tpu.memory_space<hbm>> -> memref<128xi32, #tpu.memory_space<hbm>>
        %dma_wait3A_34 = tpu.memref_slice %arg4[%multiple_of3A_22] : memref<327680xi32, #tpu.memory_space<hbm>> -> memref<128xi32, #tpu.memory_space<hbm>>
        tpu.wait_dma2 semaphore(%run_scoped3A : memref<!tpu.dma_semaphore, #tpu.memory_space<semaphore_mem>>) src(%dma_wait3A_34 : memref<128xi32, #tpu.memory_space<hbm>>) dst(%arg10 : memref<128xi32, #tpu.memory_space<vmem>>)
        tpu.yield
      }) : () -> ()
      %dma_start3A_23 = arith.constant 0 : i32
      %dma_start3A_24 = arith.constant 0 : i32
      %dma_start3A_25 = tpu.memref_slice %arg2[%dma_start3A_23, %dma_start3A_24] : memref<10000x128xf32, #tpu.memory_space<hbm>> -> memref<10000x128xf32, #tpu.memory_space<hbm>>
      tpu.enqueue_indirect_dma source(%dma_start3A_25 : memref<10000x128xf32, #tpu.memory_space<hbm>>) target(%arg12 : memref<128x128xf32, #tpu.memory_space<vmem>>) offsets(%arg8 : memref<128xi32, #tpu.memory_space<vmem>>) semaphore(%arg15 : memref<!tpu.dma_semaphore, #tpu.memory_space<semaphore_mem>>)
      %dma_wait3A = arith.constant 0 : i32
      %dma_wait3A_26 = arith.constant 0 : i32
      %dma_wait3A_27 = tpu.memref_slice %arg2[%dma_wait3A, %dma_wait3A_26] : memref<10000x128xf32, #tpu.memory_space<hbm>> -> memref<10000x128xf32, #tpu.memory_space<hbm>>
      tpu.wait_indirect_dma semaphore(%arg14 : memref<!tpu.dma_semaphore, #tpu.memory_space<semaphore_mem>>) src(%dma_wait3A_27 : memref<10000x128xf32, #tpu.memory_space<hbm>>) dst(%arg11 : memref<128x128xf32, #tpu.memory_space<vmem>>)
      "tpu.region"() ({
        %run_scoped3A = tpu.sem_alloc : memref<!tpu.dma_semaphore, #tpu.memory_space<semaphore_mem>>
        %dma_start3A_31 = arith.constant 0 : i32
        %dma_start3A_32 = arith.constant 0 : i32
        %dma_start3A_33 = tpu.memref_slice %arg13[%dma_start3A_31, %dma_start3A_32] : memref<128x128xf32, #tpu.memory_space<vmem_shared>> -> memref<128x128xf32, #tpu.memory_space<vmem_shared>>
        tpu.enqueue_indirect_dma source(%arg11 : memref<128x128xf32, #tpu.memory_space<vmem>>) target(%dma_start3A_33 : memref<128x128xf32, #tpu.memory_space<vmem_shared>>) offsets(%arg9 : memref<128xi32, #tpu.memory_space<vmem>>) semaphore(%run_scoped3A : memref<!tpu.dma_semaphore, #tpu.memory_space<semaphore_mem>>) {add = true}
        %dma_wait3A_34 = arith.constant 0 : i32
        %dma_wait3A_35 = arith.constant 0 : i32
        %dma_wait3A_36 = tpu.memref_slice %arg13[%dma_wait3A_34, %dma_wait3A_35] : memref<128x128xf32, #tpu.memory_space<vmem_shared>> -> memref<128x128xf32, #tpu.memory_space<vmem_shared>>
        tpu.wait_indirect_dma semaphore(%run_scoped3A : memref<!tpu.dma_semaphore, #tpu.memory_space<semaphore_mem>>) src(%arg11 : memref<128x128xf32, #tpu.memory_space<vmem>>) dst(%dma_wait3A_36 : memref<128x128xf32, #tpu.memory_space<vmem_shared>>)
        tpu.yield
      }) : () -> ()
      %dma_wait3A_28 = arith.constant 0 : i32
      %dma_wait3A_29 = arith.constant 0 : i32
      %dma_wait3A_30 = tpu.memref_slice %arg2[%dma_wait3A_28, %dma_wait3A_29] : memref<10000x128xf32, #tpu.memory_space<hbm>> -> memref<10000x128xf32, #tpu.memory_space<hbm>>
      tpu.wait_indirect_dma semaphore(%arg15 : memref<!tpu.dma_semaphore, #tpu.memory_space<semaphore_mem>>) src(%dma_wait3A_30 : memref<10000x128xf32, #tpu.memory_space<hbm>>) dst(%arg12 : memref<128x128xf32, #tpu.memory_space<vmem>>)
      "tpu.region"() ({
        %run_scoped3A = tpu.sem_alloc : memref<!tpu.dma_semaphore, #tpu.memory_space<semaphore_mem>>
        %dma_start3A_31 = arith.constant 0 : i32
        %dma_start3A_32 = arith.constant 0 : i32
        %dma_start3A_33 = tpu.memref_slice %arg13[%dma_start3A_31, %dma_start3A_32] : memref<128x128xf32, #tpu.memory_space<vmem_shared>> -> memref<128x128xf32, #tpu.memory_space<vmem_shared>>
        tpu.enqueue_indirect_dma source(%arg12 : memref<128x128xf32, #tpu.memory_space<vmem>>) target(%dma_start3A_33 : memref<128x128xf32, #tpu.memory_space<vmem_shared>>) offsets(%arg10 : memref<128xi32, #tpu.memory_space<vmem>>) semaphore(%run_scoped3A : memref<!tpu.dma_semaphore, #tpu.memory_space<semaphore_mem>>) {add = true}
        %dma_wait3A_34 = arith.constant 0 : i32
        %dma_wait3A_35 = arith.constant 0 : i32
        %dma_wait3A_36 = tpu.memref_slice %arg13[%dma_wait3A_34, %dma_wait3A_35] : memref<128x128xf32, #tpu.memory_space<vmem_shared>> -> memref<128x128xf32, #tpu.memory_space<vmem_shared>>
        tpu.wait_indirect_dma semaphore(%run_scoped3A : memref<!tpu.dma_semaphore, #tpu.memory_space<semaphore_mem>>) src(%arg12 : memref<128x128xf32, #tpu.memory_space<vmem>>) dst(%dma_wait3A_36 : memref<128x128xf32, #tpu.memory_space<vmem_shared>>)
        tpu.yield
      }) : () -> ()
    }
    %scan3A_7 = arith.constant 40 : i32
    %barrier3A_8 = arith.constant 0 : index
    tpu.barrier barrier_id(%barrier3A_8)
    "tpu.region"() ({
      %run_scoped3A = tpu.sem_alloc : memref<!tpu.dma_semaphore, #tpu.memory_space<semaphore_mem>>
      %dma_start3A = arith.constant 0 : i32
      %dma_start3A_9 = tpu.memref_slice %arg6[%arg0, %multiple_of3A, %dma_start3A] : memref<2x128x128xf32, #tpu.memory_space<hbm>> -> memref<1x8x128xf32, #tpu.memory_space<hbm>>
      %dma_start3A_10 = tpu.memref_squeeze %dma_start3A_9 : memref<1x8x128xf32, #tpu.memory_space<hbm>> -> memref<8x128xf32, #tpu.memory_space<hbm>>
      %dma_start3A_11 = arith.constant 0 : i32
      %dma_start3A_12 = tpu.memref_slice %arg13[%multiple_of3A, %dma_start3A_11] : memref<128x128xf32, #tpu.memory_space<vmem_shared>> -> memref<8x128xf32, #tpu.memory_space<vmem_shared>>
      tpu.enqueue_dma source(%dma_start3A_12 : memref<8x128xf32, #tpu.memory_space<vmem_shared>>) target(%dma_start3A_10 : memref<8x128xf32, #tpu.memory_space<hbm>>) target_semaphore(%run_scoped3A : memref<!tpu.dma_semaphore, #tpu.memory_space<semaphore_mem>>)
      %dma_wait3A = arith.constant 0 : i32
      %dma_wait3A_13 = tpu.memref_slice %arg6[%arg0, %multiple_of3A, %dma_wait3A] : memref<2x128x128xf32, #tpu.memory_space<hbm>> -> memref<1x8x128xf32, #tpu.memory_space<hbm>>
      %dma_wait3A_14 = tpu.memref_squeeze %dma_wait3A_13 : memref<1x8x128xf32, #tpu.memory_space<hbm>> -> memref<8x128xf32, #tpu.memory_space<hbm>>
      %dma_wait3A_15 = arith.constant 0 : i32
      %dma_wait3A_16 = tpu.memref_slice %arg13[%multiple_of3A, %dma_wait3A_15] : memref<128x128xf32, #tpu.memory_space<vmem_shared>> -> memref<8x128xf32, #tpu.memory_space<vmem_shared>>
      tpu.wait_dma2 semaphore(%run_scoped3A : memref<!tpu.dma_semaphore, #tpu.memory_space<semaphore_mem>>) src(%dma_wait3A_16 : memref<8x128xf32, #tpu.memory_space<vmem_shared>>) dst(%dma_wait3A_14 : memref<8x128xf32, #tpu.memory_space<hbm>>)
      tpu.yield
    }) : () -> ()
    return
  }
}

module attributes {stable_mosaic.version = 14 : i64} {
  func.func @_z1_body(%arg0: i32, %arg1: memref<2x400x128xf32, #tpu.memory_space<vmem>>, %arg2: memref<400x2xf32, #tpu.memory_space<vmem>>, %arg3: memref<400x128xf32, #tpu.memory_space<vmem>>, %arg4: memref<128x128xf32, #tpu.memory_space<vmem>>, %arg5: memref<128x128xf32, #tpu.memory_space<vmem>>, %arg6: memref<1x128xf32, #tpu.memory_space<vmem>>, %arg7: memref<400x128xf32, #tpu.memory_space<vmem>>) attributes {dimension_semantics = [#tpu.dimension_semantics<arbitrary>], iteration_bounds = array<i64: 25>, scalar_prefetch = 0 : i64, scratch_operands = 0 : i64, tpu.core_type = #tpu.core_type<tc>, window_params = [{transform_indices = @transform_0, window_bounds = array<i64: 2, 400, 128>}, {transform_indices = @transform_1, window_bounds = array<i64: 400, 2>}, {transform_indices = @transform_2, window_bounds = array<i64: 400, 128>}, {pipeline_mode = #tpu.pipeline_mode<synchronous>, transform_indices = @transform_3, window_bounds = array<i64: 128, 128>}, {pipeline_mode = #tpu.pipeline_mode<synchronous>, transform_indices = @transform_4, window_bounds = array<i64: 128, 128>}, {pipeline_mode = #tpu.pipeline_mode<synchronous>, transform_indices = @transform_5, window_bounds = array<i64: 1, 128>}, {transform_indices = @transform_6, window_bounds = array<i64: 400, 128>}]} {
    %get3A = arith.constant 0 : index
    %get3A_0 = arith.constant 0 : index
    %get3A_1 = arith.constant 0 : index
    %get3A_2 = vector.load %arg1[%get3A, %get3A_0, %get3A_1] : memref<2x400x128xf32, #tpu.memory_space<vmem>>, vector<1x400x128xf32>
    %get3A_3 = vector.shape_cast %get3A_2 : vector<1x400x128xf32> to vector<400x128xf32>
    %get3A_4 = arith.constant 1 : index
    %get3A_5 = arith.constant 0 : index
    %get3A_6 = arith.constant 0 : index
    %get3A_7 = vector.load %arg1[%get3A_4, %get3A_5, %get3A_6] : memref<2x400x128xf32, #tpu.memory_space<vmem>>, vector<1x400x128xf32>
    %get3A_8 = vector.shape_cast %get3A_7 : vector<1x400x128xf32> to vector<400x128xf32>
    %add3A = arith.addf %get3A_3, %get3A_8 : vector<400x128xf32>
    %get3A_9 = arith.constant 0 : index
    %get3A_10 = arith.constant 0 : index
    %get3A_11 = vector.load %arg2[%get3A_9, %get3A_10] : memref<400x2xf32, #tpu.memory_space<vmem>>, vector<400x2xf32>
    %reduce_sum3A = arith.constant dense<0.000000e+00> : vector<400xf32>
    %reduce_sum3A_12 = vector.multi_reduction <add>, %get3A_11, %reduce_sum3A [1] : vector<400x2xf32> to vector<400xf32>
    %max3A = arith.constant 1.000000e+00 : f32
    %max3A_13 = vector.broadcast %max3A : f32 to vector<400xf32>
    %max3A_14 = arith.maximumf %reduce_sum3A_12, %max3A_13 : vector<400xf32>
    %div3A = arith.constant 1.000000e+00 : f32
    %div3A_15 = vector.broadcast %div3A : f32 to vector<400xf32>
    %div3A_16 = arith.divf %div3A_15, %max3A_14 : vector<400xf32>
    %broadcast_in_dim3A = vector.shape_cast %div3A_16 : vector<400xf32> to vector<400x1xf32>
    %mul3A = vector.broadcast %broadcast_in_dim3A : vector<400x1xf32> to vector<400x128xf32>
    %mul3A_17 = arith.mulf %add3A, %mul3A : vector<400x128xf32>
    %get3A_18 = arith.constant 0 : index
    %get3A_19 = arith.constant 0 : index
    %get3A_20 = vector.load %arg4[%get3A_18, %get3A_19] : memref<128x128xf32, #tpu.memory_space<vmem>>, vector<128x128xf32>
    %dot_general3A = arith.constant dense<0.000000e+00> : vector<400x128xf32>
    %dot_general3A_21 = tpu.matmul %mul3A_17, %get3A_20, %dot_general3A {dimension_numbers = #tpu.dot_dimension_numbers<[1], [0], [0], [1], [0, 0, 1, 1], [], []>, transpose_lhs_hint = false} : vector<400x128xf32>, vector<128x128xf32>, vector<400x128xf32> -> vector<400x128xf32>
    %get3A_22 = arith.constant 0 : index
    %get3A_23 = arith.constant 0 : index
    %get3A_24 = vector.load %arg3[%get3A_22, %get3A_23] : memref<400x128xf32, #tpu.memory_space<vmem>>, vector<400x128xf32>
    %get3A_25 = arith.constant 0 : index
    %get3A_26 = arith.constant 0 : index
    %get3A_27 = vector.load %arg5[%get3A_25, %get3A_26] : memref<128x128xf32, #tpu.memory_space<vmem>>, vector<128x128xf32>
    %dot_general3A_28 = arith.constant dense<0.000000e+00> : vector<400x128xf32>
    %dot_general3A_29 = tpu.matmul %get3A_24, %get3A_27, %dot_general3A_28 {dimension_numbers = #tpu.dot_dimension_numbers<[1], [0], [0], [1], [0, 0, 1, 1], [], []>, transpose_lhs_hint = false} : vector<400x128xf32>, vector<128x128xf32>, vector<400x128xf32> -> vector<400x128xf32>
    %add3A_30 = arith.addf %dot_general3A_21, %dot_general3A_29 : vector<400x128xf32>
    %get3A_31 = arith.constant 0 : index
    %get3A_32 = arith.constant 0 : index
    %get3A_33 = vector.load %arg6[%get3A_31, %get3A_32] : memref<1x128xf32, #tpu.memory_space<vmem>>, vector<1x128xf32>
    %add3A_34 = vector.broadcast %get3A_33 : vector<1x128xf32> to vector<400x128xf32>
    %add3A_35 = arith.addf %add3A_30, %add3A_34 : vector<400x128xf32>
    %max3A_36 = arith.constant 0.000000e+00 : f32
    %max3A_37 = vector.broadcast %max3A_36 : f32 to vector<400x128xf32>
    %max3A_38 = arith.maximumf %add3A_35, %max3A_37 : vector<400x128xf32>
    %swap3A = arith.constant 0 : index
    %swap3A_39 = arith.constant 0 : index
    %swap3A_40 = vector.load %arg7[%swap3A, %swap3A_39] : memref<400x128xf32, #tpu.memory_space<vmem>>, vector<400x128xf32>
    tpu.vector_store %arg7[%swap3A, %swap3A_39], %max3A_38 {strides = array<i32>} : memref<400x128xf32, #tpu.memory_space<vmem>>, vector<400x128xf32>,
    return
  }
  func.func @transform_0(%arg0: i32) -> (i32, i32, i32) {
    %c0_i32 = arith.constant 0 : i32
    %c0_i32_0 = arith.constant 0 : i32
    %c0_i32_1 = arith.constant 0 : i32
    return %c0_i32, %arg0, %c0_i32_0 : i32, i32, i32
  }
  func.func @transform_1(%arg0: i32) -> (i32, i32) {
    %c0_i32 = arith.constant 0 : i32
    %c0_i32_0 = arith.constant 0 : i32
    return %arg0, %c0_i32 : i32, i32
  }
  func.func @transform_2(%arg0: i32) -> (i32, i32) {
    %c0_i32 = arith.constant 0 : i32
    %c0_i32_0 = arith.constant 0 : i32
    return %arg0, %c0_i32 : i32, i32
  }
  func.func @transform_3(%arg0: i32) -> (i32, i32) {
    %c0_i32 = arith.constant 0 : i32
    %c0_i32_0 = arith.constant 0 : i32
    %c0_i32_1 = arith.constant 0 : i32
    return %c0_i32, %c0_i32_0 : i32, i32
  }
  func.func @transform_4(%arg0: i32) -> (i32, i32) {
    %c0_i32 = arith.constant 0 : i32
    %c0_i32_0 = arith.constant 0 : i32
    %c0_i32_1 = arith.constant 0 : i32
    return %c0_i32, %c0_i32_0 : i32, i32
  }
  func.func @transform_5(%arg0: i32) -> (i32, i32) {
    %c0_i32 = arith.constant 0 : i32
    %c0_i32_0 = arith.constant 0 : i32
    %c0_i32_1 = arith.constant 0 : i32
    return %c0_i32, %c0_i32_0 : i32, i32
  }
  func.func @transform_6(%arg0: i32) -> (i32, i32) {
    %c0_i32 = arith.constant 0 : i32
    %c0_i32_0 = arith.constant 0 : i32
    return %arg0, %c0_i32 : i32, i32
  }
}

module attributes {stable_mosaic.version = 14 : i64} {
  func.func @_dec_body(%arg0: i32, %arg1: memref<1x2x128xf32, #tpu.memory_space<vmem>>, %arg2: memref<1x1x2xf32, #tpu.memory_space<vmem>>, %arg3: memref<1x1x128xf32, #tpu.memory_space<vmem>>, %arg4: memref<128x128xf32, #tpu.memory_space<vmem>>, %arg5: memref<128x128xf32, #tpu.memory_space<vmem>>, %arg6: memref<1x128xf32, #tpu.memory_space<vmem>>, %arg7: memref<1x192x128xf32, #tpu.memory_space<vmem>>, %arg8: memref<1x1x192xf32, #tpu.memory_space<vmem>>, %arg9: memref<1x1x192xf32, #tpu.memory_space<vmem>>, %arg10: memref<1x64x128xf32, #tpu.memory_space<vmem>>, %arg11: memref<1x1x128xf32, #tpu.memory_space<vmem>>, %arg12: memref<1x128x64xf32, #tpu.memory_space<vmem>>, %arg13: memref<1x1x64xf32, #tpu.memory_space<vmem>>, %arg14: memref<1x64x32xf32, #tpu.memory_space<vmem>>, %arg15: memref<1x1x32xf32, #tpu.memory_space<vmem>>, %arg16: memref<1x32x36xf32, #tpu.memory_space<vmem>>, %arg17: memref<1x1x36xf32, #tpu.memory_space<vmem>>, %arg18: memref<1x1x36xf32, #tpu.memory_space<vmem>>) attributes {dimension_semantics = [#tpu.dimension_semantics<arbitrary>], iteration_bounds = array<i64: 64>, scalar_prefetch = 0 : i64, scratch_operands = 0 : i64, tpu.core_type = #tpu.core_type<tc>, window_params = [{transform_indices = @transform_0, window_bounds = array<i64: 1, 2, 128>}, {transform_indices = @transform_1, window_bounds = array<i64: 1, 1, 2>}, {transform_indices = @transform_2, window_bounds = array<i64: 1, 1, 128>}, {pipeline_mode = #tpu.pipeline_mode<synchronous>, transform_indices = @transform_3, window_bounds = array<i64: 128, 128>}, {pipeline_mode = #tpu.pipeline_mode<synchronous>, transform_indices = @transform_4, window_bounds = array<i64: 128, 128>}, {pipeline_mode = #tpu.pipeline_mode<synchronous>, transform_indices = @transform_5, window_bounds = array<i64: 1, 128>}, {transform_indices = @transform_6, window_bounds = array<i64: 1, 192, 128>}, {transform_indices = @transform_7, window_bounds = array<i64: 1, 1, 192>}, {transform_indices = @transform_8, window_bounds = array<i64: 1, 1, 192>}, {transform_indices = @transform_9, window_bounds = array<i64: 1, 64, 128>}, {transform_indices = @transform_10, window_bounds = array<i64: 1, 1, 128>}, {transform_indices = @transform_11, window_bounds = array<i64: 1, 128, 64>}, {transform_indices = @transform_12, window_bounds = array<i64: 1, 1, 64>}, {transform_indices = @transform_13, window_bounds = array<i64: 1, 64, 32>}, {transform_indices = @transform_14, window_bounds = array<i64: 1, 1, 32>}, {transform_indices = @transform_15, window_bounds = array<i64: 1, 32, 36>}, {transform_indices = @transform_16, window_bounds = array<i64: 1, 1, 36>}, {transform_indices = @transform_17, window_bounds = array<i64: 1, 1, 36>}]} {
    %get3A = arith.constant 0 : index
    %get3A_0 = arith.constant 0 : index
    %get3A_1 = arith.constant 0 : index
    %get3A_2 = vector.load %arg1[%get3A, %get3A_0, %get3A_1] : memref<1x2x128xf32, #tpu.memory_space<vmem>>, vector<1x1x128xf32>
    %get3A_3 = vector.shape_cast %get3A_2 : vector<1x1x128xf32> to vector<1x128xf32>
    %get3A_4 = arith.constant 0 : index
    %get3A_5 = arith.constant 1 : index
    %get3A_6 = arith.constant 0 : index
    %get3A_7 = vector.load %arg1[%get3A_4, %get3A_5, %get3A_6] : memref<1x2x128xf32, #tpu.memory_space<vmem>>, vector<1x1x128xf32>
    %get3A_8 = vector.shape_cast %get3A_7 : vector<1x1x128xf32> to vector<1x128xf32>
    %add3A = arith.addf %get3A_3, %get3A_8 : vector<1x128xf32>
    %get3A_9 = arith.constant 0 : index
    %get3A_10 = arith.constant 0 : index
    %get3A_11 = arith.constant 0 : index
    %get3A_12 = vector.load %arg2[%get3A_9, %get3A_10, %get3A_11] : memref<1x1x2xf32, #tpu.memory_space<vmem>>, vector<1x1x2xf32>
    %get3A_13 = vector.shape_cast %get3A_12 : vector<1x1x2xf32> to vector<2xf32>
    %reduce_sum3A = vector.shape_cast %get3A_13 : vector<2xf32> to vector<1x2xf32>
    %reduce_sum3A_14 = arith.constant dense<0.000000e+00> : vector<1xf32>
    %reduce_sum3A_15 = vector.multi_reduction <add>, %reduce_sum3A, %reduce_sum3A_14 [1] : vector<1x2xf32> to vector<1xf32>
    %reduce_sum3A_16 = vector.shape_cast %reduce_sum3A_15 : vector<1xf32> to vector<1x1xf32>
    %reduce_sum3A_17 = vector.extract %reduce_sum3A_16[0, 0] : f32 from vector<1x1xf32>
    %max3A = arith.constant 1.000000e+00 : f32
    %max3A_18 = arith.maximumf %reduce_sum3A_17, %max3A : f32
    %div3A = arith.constant 1.000000e+00 : f32
    %div3A_19 = arith.divf %div3A, %max3A_18 : f32
    %mul3A = vector.broadcast %div3A_19 : f32 to vector<1x128xf32>
    %mul3A_20 = arith.mulf %add3A, %mul3A : vector<1x128xf32>
    %get3A_21 = arith.constant 0 : index
    %get3A_22 = arith.constant 0 : index
    %get3A_23 = arith.constant 0 : index
    %get3A_24 = vector.load %arg3[%get3A_21, %get3A_22, %get3A_23] : memref<1x1x128xf32, #tpu.memory_space<vmem>>, vector<1x1x128xf32>
    %get3A_25 = vector.shape_cast %get3A_24 : vector<1x1x128xf32> to vector<1x128xf32>
    %get3A_26 = arith.constant 0 : index
    %get3A_27 = arith.constant 0 : index
    %get3A_28 = vector.load %arg4[%get3A_26, %get3A_27] : memref<128x128xf32, #tpu.memory_space<vmem>>, vector<128x128xf32>
    %dot_general3A = arith.constant dense<0.000000e+00> : vector<1x128xf32>
    %dot_general3A_29 = tpu.matmul %mul3A_20, %get3A_28, %dot_general3A {dimension_numbers = #tpu.dot_dimension_numbers<[1], [0], [0], [1], [0, 0, 1, 1], [], []>, transpose_lhs_hint = false} : vector<1x128xf32>, vector<128x128xf32>, vector<1x128xf32> -> vector<1x128xf32>
    %get3A_30 = arith.constant 0 : index
    %get3A_31 = arith.constant 0 : index
    %get3A_32 = vector.load %arg5[%get3A_30, %get3A_31] : memref<128x128xf32, #tpu.memory_space<vmem>>, vector<128x128xf32>
    %dot_general3A_33 = arith.constant dense<0.000000e+00> : vector<1x128xf32>
    %dot_general3A_34 = tpu.matmul %get3A_25, %get3A_32, %dot_general3A_33 {dimension_numbers = #tpu.dot_dimension_numbers<[1], [0], [0], [1], [0, 0, 1, 1], [], []>, transpose_lhs_hint = false} : vector<1x128xf32>, vector<128x128xf32>, vector<1x128xf32> -> vector<1x128xf32>
    %add3A_35 = arith.addf %dot_general3A_29, %dot_general3A_34 : vector<1x128xf32>
    %get3A_36 = arith.constant 0 : index
    %get3A_37 = arith.constant 0 : index
    %get3A_38 = vector.load %arg6[%get3A_36, %get3A_37] : memref<1x128xf32, #tpu.memory_space<vmem>>, vector<1x128xf32>
    %get3A_39 = vector.shape_cast %get3A_38 : vector<1x128xf32> to vector<128xf32>
    %broadcast_in_dim3A = vector.shape_cast %get3A_39 : vector<128xf32> to vector<1x128xf32>
    %add3A_40 = arith.addf %add3A_35, %broadcast_in_dim3A : vector<1x128xf32>
    %get3A_41 = arith.constant 0 : index
    %get3A_42 = arith.constant 0 : index
    %get3A_43 = arith.constant 0 : index
    %get3A_44 = vector.load %arg7[%get3A_41, %get3A_42, %get3A_43] : memref<1x192x128xf32, #tpu.memory_space<vmem>>, vector<1x192x128xf32>
    %get3A_45 = vector.shape_cast %get3A_44 : vector<1x192x128xf32> to vector<192x128xf32>
    %dot_general3A_46 = arith.constant dense<0.000000e+00> : vector<1x192xf32>
    %dot_general3A_47 = tpu.matmul %add3A_40, %get3A_45, %dot_general3A_46 {dimension_numbers = #tpu.dot_dimension_numbers<[1], [1], [0], [0], [0, 0, 1, 0], [], []>, transpose_lhs_hint = false} : vector<1x128xf32>, vector<192x128xf32>, vector<1x192xf32> -> vector<1x192xf32>
    %get3A_48 = arith.constant 0 : index
    %get3A_49 = arith.constant 0 : index
    %get3A_50 = arith.constant 0 : index
    %get3A_51 = vector.load %arg8[%get3A_48, %get3A_49, %get3A_50] : memref<1x1x192xf32, #tpu.memory_space<vmem>>, vector<1x1x192xf32>
    %get3A_52 = vector.shape_cast %get3A_51 : vector<1x1x192xf32> to vector<1x192xf32>
    %add3A_53 = arith.addf %dot_general3A_47, %get3A_52 : vector<1x192xf32>
    %get3A_54 = arith.constant 0 : index
    %get3A_55 = arith.constant 0 : index
    %get3A_56 = arith.constant 0 : index
    %get3A_57 = vector.load %arg9[%get3A_54, %get3A_55, %get3A_56] : memref<1x1x192xf32, #tpu.memory_space<vmem>>, vector<1x1x192xf32>
    %get3A_58 = vector.shape_cast %get3A_57 : vector<1x1x192xf32> to vector<1x192xf32>
    %slice3A = vector.extract_strided_slice %add3A_53 {offsets = [0, 0], sizes = [1, 64], strides = [1, 1]} : vector<1x192xf32> to vector<1x64xf32>
    %slice3A_59 = vector.extract_strided_slice %get3A_58 {offsets = [0, 0], sizes = [1, 64], strides = [1, 1]} : vector<1x192xf32> to vector<1x64xf32>
    %add3A_60 = arith.addf %slice3A, %slice3A_59 : vector<1x64xf32>
    %logistic3A = arith.negf %add3A_60 : vector<1x64xf32>
    %logistic3A_61 = math.exp %logistic3A : vector<1x64xf32>
    %logistic3A_62 = arith.constant 1.000000e+00 : f32
    %logistic3A_63 = vector.broadcast %logistic3A_62 : f32 to vector<1x64xf32>
    %logistic3A_64 = arith.addf %logistic3A_63, %logistic3A_61 : vector<1x64xf32>
    %logistic3A_65 = arith.divf %logistic3A_63, %logistic3A_64 : vector<1x64xf32>
    %slice3A_66 = vector.extract_strided_slice %add3A_53 {offsets = [0, 64], sizes = [1, 64], strides = [1, 1]} : vector<1x192xf32> to vector<1x64xf32>
    %slice3A_67 = vector.extract_strided_slice %get3A_58 {offsets = [0, 64], sizes = [1, 64], strides = [1, 1]} : vector<1x192xf32> to vector<1x64xf32>
    %add3A_68 = arith.addf %slice3A_66, %slice3A_67 : vector<1x64xf32>
    %logistic3A_69 = arith.negf %add3A_68 : vector<1x64xf32>
    %logistic3A_70 = math.exp %logistic3A_69 : vector<1x64xf32>
    %logistic3A_71 = arith.constant 1.000000e+00 : f32
    %logistic3A_72 = vector.broadcast %logistic3A_71 : f32 to vector<1x64xf32>
    %logistic3A_73 = arith.addf %logistic3A_72, %logistic3A_70 : vector<1x64xf32>
    %logistic3A_74 = arith.divf %logistic3A_72, %logistic3A_73 : vector<1x64xf32>
    %slice3A_75 = vector.extract_strided_slice %add3A_53 {offsets = [0, 128], sizes = [1, 64], strides = [1, 1]} : vector<1x192xf32> to vector<1x64xf32>
    %slice3A_76 = vector.extract_strided_slice %get3A_58 {offsets = [0, 128], sizes = [1, 64], strides = [1, 1]} : vector<1x192xf32> to vector<1x64xf32>
    %mul3A_77 = arith.mulf %logistic3A_65, %slice3A_76 : vector<1x64xf32>
    %add3A_78 = arith.addf %slice3A_75, %mul3A_77 : vector<1x64xf32>
    %tanh3A = math.tanh %add3A_78 : vector<1x64xf32>
    %sub3A = arith.constant 1.000000e+00 : f32
    %sub3A_79 = vector.broadcast %sub3A : f32 to vector<1x64xf32>
    %sub3A_80 = arith.subf %sub3A_79, %logistic3A_74 : vector<1x64xf32>
    %mul3A_81 = arith.mulf %sub3A_80, %tanh3A : vector<1x64xf32>
    %get3A_82 = arith.constant 0 : index
    %get3A_83 = arith.constant 0 : index
    %get3A_84 = arith.constant 0 : index
    %get3A_85 = vector.load %arg10[%get3A_82, %get3A_83, %get3A_84] : memref<1x64x128xf32, #tpu.memory_space<vmem>>, vector<1x64x128xf32>
    %get3A_86 = vector.shape_cast %get3A_85 : vector<1x64x128xf32> to vector<64x128xf32>
    %dot_general3A_87 = arith.constant dense<0.000000e+00> : vector<1x128xf32>
    %dot_general3A_88 = tpu.matmul %mul3A_81, %get3A_86, %dot_general3A_87 {dimension_numbers = #tpu.dot_dimension_numbers<[1], [0], [0], [1], [0, 0, 1, 1], [], []>, transpose_lhs_hint = false} : vector<1x64xf32>, vector<64x128xf32>, vector<1x128xf32> -> vector<1x128xf32>
    %get3A_89 = arith.constant 0 : index
    %get3A_90 = arith.constant 0 : index
    %get3A_91 = arith.constant 0 : index
    %get3A_92 = vector.load %arg11[%get3A_89, %get3A_90, %get3A_91] : memref<1x1x128xf32, #tpu.memory_space<vmem>>, vector<1x1x128xf32>
    %get3A_93 = vector.shape_cast %get3A_92 : vector<1x1x128xf32> to vector<1x128xf32>
    %add3A_94 = arith.addf %dot_general3A_88, %get3A_93 : vector<1x128xf32>
    %max3A_95 = arith.constant 0.000000e+00 : f32
    %max3A_96 = vector.broadcast %max3A_95 : f32 to vector<1x128xf32>
    %max3A_97 = arith.maximumf %add3A_94, %max3A_96 : vector<1x128xf32>
    %get3A_98 = arith.constant 0 : index
    %get3A_99 = arith.constant 0 : index
    %get3A_100 = arith.constant 0 : index
    %get3A_101 = vector.load %arg12[%get3A_98, %get3A_99, %get3A_100] : memref<1x128x64xf32, #tpu.memory_space<vmem>>, vector<1x128x64xf32>
    %get3A_102 = vector.shape_cast %get3A_101 : vector<1x128x64xf32> to vector<128x64xf32>
    %dot_general3A_103 = arith.constant dense<0.000000e+00> : vector<1x64xf32>
    %dot_general3A_104 = tpu.matmul %max3A_97, %get3A_102, %dot_general3A_103 {dimension_numbers = #tpu.dot_dimension_numbers<[1], [0], [0], [1], [0, 0, 1, 1], [], []>, transpose_lhs_hint = false} : vector<1x128xf32>, vector<128x64xf32>, vector<1x64xf32> -> vector<1x64xf32>
    %get3A_105 = arith.constant 0 : index
    %get3A_106 = arith.constant 0 : index
    %get3A_107 = arith.constant 0 : index
    %get3A_108 = vector.load %arg13[%get3A_105, %get3A_106, %get3A_107] : memref<1x1x64xf32, #tpu.memory_space<vmem>>, vector<1x1x64xf32>
    %get3A_109 = vector.shape_cast %get3A_108 : vector<1x1x64xf32> to vector<1x64xf32>
    %add3A_110 = arith.addf %dot_general3A_104, %get3A_109 : vector<1x64xf32>
    %max3A_111 = arith.constant 0.000000e+00 : f32
    %max3A_112 = vector.broadcast %max3A_111 : f32 to vector<1x64xf32>
    %max3A_113 = arith.maximumf %add3A_110, %max3A_112 : vector<1x64xf32>
    %get3A_114 = arith.constant 0 : index
    %get3A_115 = arith.constant 0 : index
    %get3A_116 = arith.constant 0 : index
    %get3A_117 = vector.load %arg14[%get3A_114, %get3A_115, %get3A_116] : memref<1x64x32xf32, #tpu.memory_space<vmem>>, vector<1x64x32xf32>
    %get3A_118 = vector.shape_cast %get3A_117 : vector<1x64x32xf32> to vector<64x32xf32>
    %dot_general3A_119 = arith.constant dense<0.000000e+00> : vector<1x32xf32>
    %dot_general3A_120 = tpu.matmul %max3A_113, %get3A_118, %dot_general3A_119 {dimension_numbers = #tpu.dot_dimension_numbers<[1], [0], [0], [1], [0, 0, 1, 1], [], []>, transpose_lhs_hint = false} : vector<1x64xf32>, vector<64x32xf32>, vector<1x32xf32> -> vector<1x32xf32>
    %get3A_121 = arith.constant 0 : index
    %get3A_122 = arith.constant 0 : index
    %get3A_123 = arith.constant 0 : index
    %get3A_124 = vector.load %arg15[%get3A_121, %get3A_122, %get3A_123] : memref<1x1x32xf32, #tpu.memory_space<vmem>>, vector<1x1x32xf32>
    %get3A_125 = vector.shape_cast %get3A_124 : vector<1x1x32xf32> to vector<1x32xf32>
    %add3A_126 = arith.addf %dot_general3A_120, %get3A_125 : vector<1x32xf32>
    %max3A_127 = arith.constant 0.000000e+00 : f32
    %max3A_128 = vector.broadcast %max3A_127 : f32 to vector<1x32xf32>
    %max3A_129 = arith.maximumf %add3A_126, %max3A_128 : vector<1x32xf32>
    %get3A_130 = arith.constant 0 : index
    %get3A_131 = arith.constant 0 : index
    %get3A_132 = arith.constant 0 : index
    %get3A_133 = vector.load %arg16[%get3A_130, %get3A_131, %get3A_132] : memref<1x32x36xf32, #tpu.memory_space<vmem>>, vector<1x32x36xf32>
    %get3A_134 = vector.shape_cast %get3A_133 : vector<1x32x36xf32> to vector<32x36xf32>
    %dot_general3A_135 = arith.constant dense<0.000000e+00> : vector<1x36xf32>
    %dot_general3A_136 = tpu.matmul %max3A_129, %get3A_134, %dot_general3A_135 {dimension_numbers = #tpu.dot_dimension_numbers<[1], [0], [0], [1], [0, 0, 1, 1], [], []>, transpose_lhs_hint = false} : vector<1x32xf32>, vector<32x36xf32>, vector<1x36xf32> -> vector<1x36xf32>
    %get3A_137 = arith.constant 0 : index
    %get3A_138 = arith.constant 0 : index
    %get3A_139 = arith.constant 0 : index
    %get3A_140 = vector.load %arg17[%get3A_137, %get3A_138, %get3A_139] : memref<1x1x36xf32, #tpu.memory_space<vmem>>, vector<1x1x36xf32>
    %get3A_141 = vector.shape_cast %get3A_140 : vector<1x1x36xf32> to vector<1x36xf32>
    %add3A_142 = arith.addf %dot_general3A_136, %get3A_141 : vector<1x36xf32>
    %swap3A = arith.constant 0 : index
    %swap3A_143 = arith.constant 0 : index
    %swap3A_144 = arith.constant 0 : index
    %swap3A_145 = vector.load %arg18[%swap3A, %swap3A_143, %swap3A_144] : memref<1x1x36xf32, #tpu.memory_space<vmem>>, vector<1x1x36xf32>
    %swap3A_146 = vector.shape_cast %swap3A_145 : vector<1x1x36xf32> to vector<1x36xf32>
    %swap3A_147 = vector.shape_cast %add3A_142 : vector<1x36xf32> to vector<1x1x36xf32>
    tpu.vector_store %arg18[%swap3A, %swap3A_143, %swap3A_144], %swap3A_147 {strides = array<i32>} : memref<1x1x36xf32, #tpu.memory_space<vmem>>, vector<1x1x36xf32>,
    return
  }
  func.func @transform_0(%arg0: i32) -> (i32, i32, i32) {
    %c0_i32 = arith.constant 0 : i32
    %c0_i32_0 = arith.constant 0 : i32
    %c0_i32_1 = arith.constant 0 : i32
    return %arg0, %c0_i32, %c0_i32_0 : i32, i32, i32
  }
  func.func @transform_1(%arg0: i32) -> (i32, i32, i32) {
    %c0_i32 = arith.constant 0 : i32
    %c0_i32_0 = arith.constant 0 : i32
    %c0_i32_1 = arith.constant 0 : i32
    return %arg0, %c0_i32, %c0_i32_0 : i32, i32, i32
  }
  func.func @transform_2(%arg0: i32) -> (i32, i32, i32) {
    %c0_i32 = arith.constant 0 : i32
    %c0_i32_0 = arith.constant 0 : i32
    %c0_i32_1 = arith.constant 0 : i32
    return %arg0, %c0_i32, %c0_i32_0 : i32, i32, i32
  }
  func.func @transform_3(%arg0: i32) -> (i32, i32) {
    %c0_i32 = arith.constant 0 : i32
    %c0_i32_0 = arith.constant 0 : i32
    %c0_i32_1 = arith.constant 0 : i32
    return %c0_i32, %c0_i32_0 : i32, i32
  }
  func.func @transform_4(%arg0: i32) -> (i32, i32) {
    %c0_i32 = arith.constant 0 : i32
    %c0_i32_0 = arith.constant 0 : i32
    %c0_i32_1 = arith.constant 0 : i32
    return %c0_i32, %c0_i32_0 : i32, i32
  }
  func.func @transform_5(%arg0: i32) -> (i32, i32) {
    %c0_i32 = arith.constant 0 : i32
    %c0_i32_0 = arith.constant 0 : i32
    %c0_i32_1 = arith.constant 0 : i32
    return %c0_i32, %c0_i32_0 : i32, i32
  }
  func.func @transform_6(%arg0: i32) -> (i32, i32, i32) {
    %c0_i32 = arith.constant 0 : i32
    %c0_i32_0 = arith.constant 0 : i32
    %c0_i32_1 = arith.constant 0 : i32
    return %arg0, %c0_i32, %c0_i32_0 : i32, i32, i32
  }
  func.func @transform_7(%arg0: i32) -> (i32, i32, i32) {
    %c0_i32 = arith.constant 0 : i32
    %c0_i32_0 = arith.constant 0 : i32
    %c0_i32_1 = arith.constant 0 : i32
    return %arg0, %c0_i32, %c0_i32_0 : i32, i32, i32
  }
  func.func @transform_8(%arg0: i32) -> (i32, i32, i32) {
    %c0_i32 = arith.constant 0 : i32
    %c0_i32_0 = arith.constant 0 : i32
    %c0_i32_1 = arith.constant 0 : i32
    return %arg0, %c0_i32, %c0_i32_0 : i32, i32, i32
  }
  func.func @transform_9(%arg0: i32) -> (i32, i32, i32) {
    %c0_i32 = arith.constant 0 : i32
    %c0_i32_0 = arith.constant 0 : i32
    %c0_i32_1 = arith.constant 0 : i32
    return %arg0, %c0_i32, %c0_i32_0 : i32, i32, i32
  }
  func.func @transform_10(%arg0: i32) -> (i32, i32, i32) {
    %c0_i32 = arith.constant 0 : i32
    %c0_i32_0 = arith.constant 0 : i32
    %c0_i32_1 = arith.constant 0 : i32
    return %arg0, %c0_i32, %c0_i32_0 : i32, i32, i32
  }
  func.func @transform_11(%arg0: i32) -> (i32, i32, i32) {
    %c0_i32 = arith.constant 0 : i32
    %c0_i32_0 = arith.constant 0 : i32
    %c0_i32_1 = arith.constant 0 : i32
    return %arg0, %c0_i32, %c0_i32_0 : i32, i32, i32
  }
  func.func @transform_12(%arg0: i32) -> (i32, i32, i32) {
    %c0_i32 = arith.constant 0 : i32
    %c0_i32_0 = arith.constant 0 : i32
    %c0_i32_1 = arith.constant 0 : i32
    return %arg0, %c0_i32, %c0_i32_0 : i32, i32, i32
  }
  func.func @transform_13(%arg0: i32) -> (i32, i32, i32) {
    %c0_i32 = arith.constant 0 : i32
    %c0_i32_0 = arith.constant 0 : i32
    %c0_i32_1 = arith.constant 0 : i32
    return %arg0, %c0_i32, %c0_i32_0 : i32, i32, i32
  }
  func.func @transform_14(%arg0: i32) -> (i32, i32, i32) {
    %c0_i32 = arith.constant 0 : i32
    %c0_i32_0 = arith.constant 0 : i32
    %c0_i32_1 = arith.constant 0 : i32
    return %arg0, %c0_i32, %c0_i32_0 : i32, i32, i32
  }
  func.func @transform_15(%arg0: i32) -> (i32, i32, i32) {
    %c0_i32 = arith.constant 0 : i32
    %c0_i32_0 = arith.constant 0 : i32
    %c0_i32_1 = arith.constant 0 : i32
    return %arg0, %c0_i32, %c0_i32_0 : i32, i32, i32
  }
  func.func @transform_16(%arg0: i32) -> (i32, i32, i32) {
    %c0_i32 = arith.constant 0 : i32
    %c0_i32_0 = arith.constant 0 : i32
    %c0_i32_1 = arith.constant 0 : i32
    return %arg0, %c0_i32, %c0_i32_0 : i32, i32, i32
  }
  func.func @transform_17(%arg0: i32) -> (i32, i32, i32) {
    %c0_i32 = arith.constant 0 : i32
    %c0_i32_0 = arith.constant 0 : i32
    %c0_i32_1 = arith.constant 0 : i32
    return %arg0, %c0_i32, %c0_i32_0 : i32, i32, i32
  }
}

</mosaic_0001>

<sc_bundles>
// kernel: kernel.6.cloned.1.call-start
scs
__scs_entry_jumppad:
0x0: {  	(pc) =	sbr.rel $0x88, $3  }
0x1: {  	(tag) =	ssettag $0x0;
	lr =	simm.s32 $0x1  }
0x2: {  	[smem:$0x3F8E] =	sst lr;
	_ =	strace $0xD0000000  }
0x3: {  	_ = 	snop  }
0x4: {  	_ = 	snop  }
0x5: {  	_ = 	snop  }
0x6: {  	_ = 	snop  }
0x7: {  	_ = 	snop  }
__scs_overlays_trampoline_lowered:
0x8: {  	[smem:$0x3F9D] =	sst s0  }
0x9: {  	[smem:$0x3F9E] =	sst s1  }
0xa: {  	[smem:$0x3F9F] =	sst s2  }
0xb: {  	[smem:$0x3FA0] =	sst s3  }
0xc: {  	[smem:$0x3FA1] =	sst s4  }
0xd: {  	[smem:$0x3FA2] =	sst s5  }
0xe: {  	[smem:$0x3FA3] =	sst s6  }
0xf: {  	[smem:$0x3FA4] =	sst s7  }
0x10: {  	[smem:$0x3FA5] =	sst s8  }
0x11: {  	[smem:$0x3FA6] =	sst s9;
	s0 =	simm.s32 @!p0 $0x0  }
0x12: {  	s1 =	sld [smem:$0x3F8C];
	s0 =	simm.s32 @p0 $0x1  }
0x13: {  	[smem:$0x3FA7] =	sst s0;
	s0 =	simm.s32 @!p1 $0x0  }
0x14: {  	s2 =	sld [smem:$0x3F8B];
	s0 =	simm.s32 @p1 $0x1  }
0x15: {  	[smem:$0x3FA8] =	sst s0;
	s0 =	simm.s32 @!p2 $0x0  }
0x16: {  	s3 =	sld [smem:$0x3FDB];
	s0 =	simm.s32 @p2 $0x1  }
0x17: {  	s4 =	simm.s32 $0x1BF5;
	[smem:$0x3FAA] =	sst s0  }
0x18: {  	s0 =	sld [smem:$0x3F8D];
	_ =	swait.ge [sflag:s4], $0x0  }
0x19: {  	s7 =	sld [smem:$0x3F8E]  }
0x1a: {  	s8 =	sadd.s32 $0xFFFFE003, lr  }
0x1b: {  	s9 =	sadd.s32 $0xFFFFFEF7, lr;
	s5 =	simm.s32 $0xFFFFFFFF;
	p2 =	slt.u32 s8, $0xFFFFF086  }
0x1c: {  	p1 =	slt.u32 s9, $0xF7A;
	s5 =	simm.s32 @!p2 $0x0  }
0x1d: {  	s5 =	simm.s32 @p1 $0x1;
	p0 =	seq.s32 s7, s2  }
0x1e: {  	s7 =	smul.u32 @!p0 $0xF7A, s2;
	p2 =	seq.s32 @!p0 s5, $0x0  }
0x1f: {  	s9 =	smul.u32 $0xF7A, s1;
	s8 =	simm.s32 @!p0 $0x1BF5;
	p2 =	por !p2, p0  }
0x20: {  	[sflag:s8] =	ssyncset.s32 @!p0 $0xFFFFF086;
	s6 =	sadd.s32 @!p0 s3, s7;
	s7 =	simm.s32 @!p0 $0x108  }
0x21: {  	s3 =	sadd.s32 s3, s9;
	s6 =	sadd.s32 @!p0 $0x88, s6;
	s7 =	simm.s32 @p2 $0x1082  }
0x22: {  	[simem:s7], [sflag:s8] =	dma.local @!p0 [hbm:s6], $0xF7A  }
0x23: {  	s9 =	sor.u32 $0xD0000000, s2;
	s6 =	simm.s32 $0x108;
	_ =	swait.ge @!p0 [sflag:s8], $0x0  }
0x24: {  	s3 =	sadd.s32 $0x88, s3;
	s6 =	simm.s32 @!p1 $0x1082;
	[sflag:s4] =	ssyncset.s32 $0xFFFFF086  }
0x25: {  	[simem:s6], [sflag:s4] =	dma.local [hbm:s3], $0xF7A  }
0x26: {  	[smem:$0x3F8E] =	sst s1;
	(tag) =	ssettag s2;
	_ =	strace s9  }
0x27: {  	s1 =	sld [smem:$0x3F9E]  }
0x28: {  	s2 =	sld [smem:$0x3F9F]  }
0x29: {  	s4 =	sld [smem:$0x3FA1]  }
0x2a: {  	p0 =	seq.s32 s5, $0x0;
	s5 =	sld [smem:$0x3FA2]  }
0x2b: {  	s6 =	sld [smem:$0x3FA3]  }
0x2c: {  	s7 =	sld [smem:$0x3FA4]  }
0x2d: {  	s3 =	simm.s32 $0x108;
	s8 =	sld [smem:$0x3FA5]  }
0x2e: {  	s3 =	simm.s32 @!p0 $0x1082;
	s9 =	sld [smem:$0x3FA6]  }
0x2f: {  	lr =	sadd.s32 s0, s3;
	s0 =	sld [smem:$0x3F9D]  }
0x30: {  	s3 =	sld [smem:$0x3FA0]  }
0x31: {  	[smem:$0x3FA9] =	sst s10  }
0x32: {  	s10 =	sld [smem:$0x3FA7];
	_ =	sdelay $0x3  }
0x33: {  	p0 =	seq.s32 s10, $0x1;
	s10 =	sld [smem:$0x3FA9];
	_ =	sdelay $0x3  }
0x34: {  	[smem:$0x3FA9] =	sst s10  }
0x35: {  	s10 =	sld [smem:$0x3FA8];
	_ =	sdelay $0x3  }
0x36: {  	p1 =	seq.s32 s10, $0x1;
	s10 =	sld [smem:$0x3FA9];
	_ =	sdelay $0x3  }
0x37: {  	[smem:$0x3FA9] =	sst s10  }
0x38: {  	s10 =	sld [smem:$0x3FAA]  }
0x39: {  	_ = 	snop;
	(pc) =	sbr.ind lr, $3  }
0x3a: {  	_ = 	snop  }
0x3b: {  	_ = 	snop  }
0x3c: {  	p2 =	seq.s32 s10, $0x1;
	s10 =	sld [smem:$0x3FA9]  }
0x3d: {  	_ =	shalt  }
0x3e: {  	_ =	shalt  }
0x3f: {  	_ =	shalt  }
0x40: {  	_ =	shalt  }
0x41: {  	_ =	shalt  }
0x42: {  	_ =	shalt  }
0x43: {  	_ =	shalt  }
0x44: {  	_ =	shalt  }
0x45: {  	_ =	shalt  }
0x46: {  	_ =	shalt  }
0x47: {  	_ =	shalt  }
0x48: {  	_ =	shalt  }
0x49: {  	_ =	shalt  }
0x4a: {  	_ =	shalt  }
0x4b: {  	_ =	shalt  }
0x4c: {  	_ =	shalt  }
0x4d: {  	_ =	shalt  }
0x4e: {  	_ =	shalt  }
0x4f: {  	_ =	shalt  }
0x50: {  	_ =	shalt  }
0x51: {  	_ =	shalt  }
0x52: {  	_ =	shalt  }
0x53: {  	_ =	shalt  }
0x54: {  	_ =	shalt  }
0x55: {  	_ =	shalt  }
0x56: {  	_ =	shalt  }
0x57: {  	_ =	shalt  }
0x58: {  	_ =	shalt  }
0x59: {  	_ =	shalt  }
0x5a: {  	_ =	shalt  }
0x5b: {  	_ =	shalt  }
0x5c: {  	_ =	shalt  }
0x5d: {  	_ =	shalt  }
0x5e: {  	_ =	shalt  }
0x5f: {  	_ =	shalt  }
0x60: {  	_ =	shalt  }
0x61: {  	_ =	shalt  }
0x62: {  	_ =	shalt  }
0x63: {  	_ =	shalt  }
0x64: {  	_ =	shalt  }
0x65: {  	_ =	shalt  }
0x66: {  	_ =	shalt  }
0x67: {  	_ =	shalt  }
0x68: {  	_ =	shalt  }
0x69: {  	_ =	shalt  }
0x6a: {  	_ =	shalt  }
0x6b: {  	_ =	shalt  }
0x6c: {  	_ =	shalt  }
0x6d: {  	_ =	shalt  }
0x6e: {  	_ =	shalt  }
0x6f: {  	_ =	shalt  }
0x70: {  	_ =	shalt  }
0x71: {  	_ =	shalt  }
0x72: {  	_ =	shalt  }
0x73: {  	_ =	shalt  }
0x74: {  	_ =	shalt  }
0x75: {  	_ =	shalt  }
0x76: {  	_ =	shalt  }
0x77: {  	_ =	shalt  }
0x78: {  	_ =	shalt  }
0x79: {  	_ =	shalt  }
0x7a: {  	_ =	shalt  }
0x7b: {  	_ =	shalt  }
0x7c: {  	_ =	shalt  }
0x7d: {  	_ =	shalt  }
0x7e: {  	_ =	shalt  }
0x7f: {  	_ =	shalt  }
0x80: {  	_ =	shalt  }
0x81: {  	_ =	shalt  }
0x82: {  	_ =	shalt  }
0x83: {  	_ =	shalt  }
0x84: {  	_ =	shalt  }
0x85: {  	_ =	shalt  }
0x86: {  	_ =	shalt  }
0x87: {  	_ =	shalt  }
.Lfunc_end0:
.L_simem_size_0:
called_computation_lowered:
.L_overlay_start_0:
0x88: {  	s2 =	sld [smem:$0x3FD9]  }
0x89: {  	s3 =	sld [smem:$0x3FFE];
	_ =	sdelay $0x1  }
0x8a: {  	s1 =	srdreg.scid  }
0x8b: {  	s0 =	sand.u32 $0x1, s1  }
0x8c: {  	s17 =	sshll.u32 s0, $0xA;
	s2 =	sadd.s32 s3, s2  }
0x8d: {  	s2 =	sadd.s32 s2, s17  }
0x8e: {  	[smem:$0x3FB5] =	sst s2  }
0x8f: {  	_ = 	snop  }
0x90: {  	s2 =	sld [smem:$0x3FC9];
	(tm) =	ssettm $0x1  }
0x91: {  	s18 =	sld [smem:$0x3FFB];
	_ =	sdelay $0x3  }
0x92: {  	_ =	strace s18  }
0x93: {  	s3 =	sld [smem:$0x3FFC];
	_ =	sdelay $0x3  }
0x94: {  	_ =	strace s3  }
0x95: {  	s3 =	sld [smem:$0x3FFD];
	_ =	sdelay $0x3  }
0x96: {  	_ =	strace s3  }
0x97: {  	_ =	strace $0x8FFFFFFF  }
0x98: {  	s19 =	sld [smem:$0x3FDB];
	_ =	sdelay $0x1  }
0x99: {  	s4 =	simm.s32 $_scs_section_size  }
0x9a: {  	s5 =	simm.s32 $_size__tile_overlayer_lowered;
	s6 =	simm.s32 $_tile_overlayer_lowered  }
0x9b: {  	s22 =	simm.s32 $0x1BFF;
	s21 =	sshll.u32 s6, $0x1;
	s3 =	sadd.s32 s4, s19  }
0x9c: {  	s7 =	simm.s32 $0x0;
	s20 =	sshll.u32 s5, $0x1;
	s5 =	sadd.s32 s21, s3  }
0x9d: {  	[timem:s7], [sflag:s22] =	dma.local [hbm:s5], s20  }
0x9e: {  	_ =	swait.ge [sflag:s22], s20  }
0x9f: {  	s4 =	ssub.s32 $0x0, s20;
	[sflag:s22] =	ssyncset.done $0x0  }
0xa0: {  	[sflag:s22] =	ssyncadd.s32 s4;
	_ =	sdelay $0x1  }
0xa1: {  	s23 =	simm.s32 $0x1B8B  }
0xa2: {  	_ =	swait.ge [sflag:s23], $0x1  }
0xa3: {  	[sflag:s23] =	ssyncset.done $0x0  }
0xa4: {  	s25 =	simm.s32 $0x1B8E;
	s24 =	sld [smem:$0x3FFE];
	[sflag:s23] =	ssyncadd.s32 $0xFFFFFFFF  }
0xa5: {  	s26 =	simm.s32 $execute0_lowered;
	[smem:$0x3FD2] =	sst s25  }
0xa6: {  	s5 =	sshll.u32 s26, $0x1;
	_ =	strace $0x80000046;
	[dreg:$0x1] =	wrdreg $0xFFFFFFFF  }
0xa7: {  	s28 =	simm.s32 $_size_execute0_lowered;
	s3 =	sadd.s32 s3, s5;
	[dreg:$0x0] =	wrdreg $0x0  }
0xa8: {  	s5 =	sshll.u32 s28, $0x1;
	[dreg:$0x2] =	wrdreg s3  }
0xa9: {  	[dreg:$0x3] =	wrdreg s5  }
0xaa: {  	[dreg:$0x4] =	wrdreg $0xC0  }
0xab: {  	_ =	task [dreg:s7], $0x5FFFF  }
0xac: {  	[dreg:$0x1] =	wrdreg $0xFFFFFFFF  }
0xad: {  	[dreg:$0x0] =	wrdreg $0x60  }
0xae: {  	[dreg:$0x2] =	wrdreg s2  }
0xaf: {  	[dreg:$0x3] =	wrdreg s24  }
0xb0: {  	[dreg:$0x4] =	wrdreg $0x82000  }
0xb1: {  	[dreg:$0x5] =	wrdreg $0x1BE000  }
0xb2: {  	[dreg:$0x6] =	wrdreg $0x1C0800  }
0xb3: {  	[dreg:$0x7] =	wrdreg $0x9  }
0xb4: {  	_ =	task.clear_ibuf [dreg:s7], $0x8FFFF;
	_ =	strace $0x90000046  }
0xb5: {  	s29 =	simm.s32 $0x9;
	_ =	strace $0x80000048  }
0xb6: {  	_ =	swait.ge [sflag:s29], $0x1  }
0xb7: {  	[sflag:s29] =	ssyncadd.s32 $0xFFFFFFFF  }
0xb8: {  	_ =	strace $0x90000048  }
0xb9: {  	_ =	sfence  }
0xba: {  	s30 =	sld [smem:$0x0];
	_ =	sdelay $0x2  }
0xbb: {  	s31 =	sshll.u32 s1, $0xD;
	s1 =	sshrl.u32 s1, $0x2  }
0xbc: {  	s3 =	sand.u32 $0x4000, s31;
	s1 =	sadd.s32 s1, s30  }
0xbd: {  	s0 =	sor.u32 s3, s0;
	s1 =	sshll.u32 s1, $0x11  }
0xbe: {  	s0 =	sor.u32 s1, s0  }
0xbf: {  	s0 =	sadd.s32 $0x8F2B, s0  }
0xc0: {  	[sflag:s0] =	ssyncadd.remote.s32 $0x1  }
0xc1: {  	_ =	sfence.sel $0xFFFF  }
0xc2: {  	[dreg:$0x0] =	wrdreg $0xFFFFFFFF;
	(pc) =	sbr.abs _section_cstart, $3  }
0xc3: {  	[dreg:$0x1] =	wrdreg $0xFFFFFFFF  }
0xc4: {  	_ =	task.clear_ibuf [dreg:s7], $0x2FFFF;
	_ =	strace $0x9FFFFFFF  }
0xc5: {  	(tm) =	ssettm $0x7FFFFFFF  }
tec
execute0_lowered:
.L_overlay_start_1:
0x0: {  	(tag) =	ssettag $0x1  }
0x1: {  	s1 =	rddreg [dreg:$0x0]  }
0x2: {  	s0 =	rddreg [dreg:$0x1]  }
0x3: {  	s2 =	rddreg [dreg:$0x2]  }
0x4: {  	s4 =	rddreg [dreg:$0x3]  }
0x5: {  	s5 =	rddreg [dreg:$0x4]  }
0x6: {  	s3 =	srdreg.scid;
	s17 =	stileid.u32;
	s6 =	simm.s32 $0x0  }
0x7: {  	s19 =	simm.s32 $0x3;
	s28 =	simm.s32 $0x1;
	s29 =	simm.s32 $0x2  }
0x8: {  	s30 =	simm.s32 $0x0;
	s3 =	sand.u32 $0x1, s3;
	s8 =	smul.u32 $0x13C00, s17  }
0x9: {  	[smem:$0x7FF] =	sst s6;
	s20 =	sadd.s32 $0x3C00, s0;
	s13 =	smul.u32 $0x4F000, s17  }
0xa: {  	s11 =	sshll.u32 s17, $0x7;
	s12 =	sshll.u32 s17, $0xA;
	s16 =	smul.u32 $0x500, s17  }
0xb: {  	s26 =	sshll.u32 s17, $0x6;
	p0 =	sgt.u32 s17, $0x9;
	s7 =	smul.u32 $0x5000, s3  }
0xc: {  	_ =	strace $0x80000047;
	s10 =	smul.u32 $0x13C000, s3;
	[dreg:$0x6] =	wrdreg s20  }
0xd: {  	s21 =	smul.u32 $0x2800, s3;
	s11 =	sadd.s32 s11, s0;
	s3 =	ssub.s32 $0x2, s3  }
0xe: {  	p1 =	sne.s32 @p0 s17, $0xF;
	s9 =	sshrl.u32 s8, $0x3;
	s23 =	sshrl.u32 s3, $0x1  }
0xf: {  	s24 =	sshrl.u32 s13, $0x2;
	p1 =	por p1, !p0;
	s14 =	sadd.s32 s7, s0  }
0x10: {  	s9 =	sadd.s32 s9, s0;
	s8 =	sadd.s32 s8, s10;
	s10 =	sadd.s32 s12, s21  }
0x11: {  	s3 =	ssub.s32 s3, s23;
	s18 =	sadd.s32 s24, s2;
	s21 =	sadd.s32 s12, s4  }
0x12: {  	s20 =	sshrl.u32 @!p1 s5, $0x3;
	s23 =	simm.s32 $0x100;
	s24 =	simm.s32 $0x180  }
0x13: {  	s8 =	sshrl.u32 s8, $0x3;
	s22 =	sshrl.u32 s10, $0x3;
	s25 =	sadd.s32 $0x2C400, s9  }
0x14: {  	s9 =	sor.u32 $0x1C03, s26;
	s10 =	sadd.s32 $0x53C00, s11;
	s13 =	smax.u32 s3, $0x1  }
0x15: {  	s31 =	sadd.s32 s16, s14;
	s18 =	sshrl.u32 s18, $0x3;
	s21 =	sshrl.u32 @!p0 s21, $0x3  }
0x16: {  	s26 =	simm.s32 $0x4200;
	s15 =	sadd.s32 s8, s0;
	s0 =	sadd.s32 s22, s0  }
0x17: {  	[dreg:$0x7] =	wrdreg s25;
	s14 =	sadd.s32 $0x18400, s31;
	s16 =	sadd.s32 $0xE400, s31  }
0x18: {  	s17 =	sadd.s32 $0x4400, s31;
	s22 =	simm.s32 $0x80;
	s25 =	simm.s32 $0x200  }
0x19: {  	s11 =	sadd.s32 $0x54200, s15;
	s12 =	sadd.s32 $0xA3200, s0;
	s15 =	sadd.s32 $0x22400, s31  }
.LBB2_1:
0x1a: {  	s0 =	rddreg [dreg:$0x7]  }
0x1b: {  	[spmem:s18], [sflag:s9] =	dma.local [hbm:s0], $0x2780  }
0x1c: {  	_ =	swait.ge [sflag:s19], $0x2780  }
0x1d: {  	[sflag:s19] =	ssyncset.done $0x0  }
0x1e: {  	s0 =	rddreg [dreg:$0x6];
	[sflag:s19] =	ssyncadd.s32 $0xFFFFD880  }
0x1f: {  	[spmem:s20], [sflag:s9] =	dma.local @!p1 [hbm:s0], $0x800  }
0x20: {  	s0 =	simm.s32 @!p1 $0x3  }
0x21: {  	_ =	swait.ge @!p1 [sflag:s0], $0x800  }
0x22: {  	[sflag:s0] =	ssyncset.done @!p1 $0x0  }
0x23: {  	[sflag:s0] =	ssyncadd.s32 @!p1 $0xFFFFF800;
	s0 =	simm.s32 @!p0 $0x3  }
0x24: {  	[spmem:s21], [sflag:s9] =	dma.local @!p0 [hbm:s10], $0x80  }
0x25: {  	_ =	swait.ge @!p0 [sflag:s0], $0x80  }
0x26: {  	[sflag:s0] =	ssyncset.done @!p0 $0x0  }
0x27: {  	[sflag:s0] =	ssyncadd.s32 @!p0 $0xFFFFFF80  }
0x28: {  	s8 =	sadd.s32 $0x0, s17;
	[bflag:$0x0] =	sbarrier.arrive $0xFFFF  }
0x29: {  	[tilespmem:s6], [sflag:$0x3] =	stream.linear.gather [hbm4b:s8+s6], $0x80, $0x38;
	[tilespmem:$0x1C480] =	vst v63  }
0x2a: {  	_ =	swait.ge [sflag:s19], $0x80  }
0x2b: {  	[sflag:s19] =	ssyncset.done $0x0  }
0x2c: {  	s3 =	sadd.s32 $0x0, s16;
	[sflag:s19] =	ssyncadd.s32 $0xFFFFFF80  }
0x2d: {  	[tilespmem:s22], [sflag:$0x3] =	stream.linear.gather [hbm4b:s3+s6], $0x80, $0x38;
	[tilespmem:$0x1C480] =	vst v63  }
0x2e: {  	_ =	swait.ge [sflag:s19], $0x80  }
0x2f: {  	[sflag:s19] =	ssyncset.done $0x0  }
0x30: {  	s7 =	sadd.s32 $0x0, s15;
	[sflag:s19] =	ssyncadd.s32 $0xFFFFFF80  }
0x31: {  	[tilespmem:s23], [sflag:$0x3] =	stream.linear.gather [hbm4b:s7+s6], $0x80, $0x38;
	[tilespmem:$0x1C480] =	vst v63  }
0x32: {  	_ =	swait.ge [sflag:s19], $0x80  }
0x33: {  	[sflag:s19] =	ssyncset.done $0x0  }
0x34: {  	s8 =	sadd.s32 $0x0, s14;
	[sflag:s19] =	ssyncadd.s32 $0xFFFFFF80  }
0x35: {  	[tilespmem:s24], [sflag:$0x3] =	stream.linear.gather [hbm4b:s8+s6], $0x80, $0x38;
	[tilespmem:$0x1C480] =	vst v63  }
0x36: {  	_ =	swait.ge [sflag:s19], $0x80  }
0x37: {  	[sflag:s19] =	ssyncset.done $0x0  }
0x38: {  	[sflag:s19] =	ssyncadd.s32 $0xFFFFFF80  }
0x39: {  	[tilespmem:s25], [sflag:$0x1] =	stream.indirect.gather [hbm4b:s1+s22], $0x80, s6, s22, $0xb8;
	[tilespmem:$0x1C480] =	vst v63  }
0x3a: {  	_ = 	snop  }
0x3b: {  	[tilespmem:s26], [sflag:$0x2] =	stream.indirect.gather [spmem:s5], $0x80, s24, s22, $0xb8;
	[tilespmem:$0x1C480] =	vst v63  }
0x3c: {  	_ =	swait.ge [sflag:s28], $0x4000  }
0x3d: {  	[sflag:s28] =	ssyncset.done $0x0  }
0x3e: {  	[sflag:s28] =	ssyncadd.s32 $0xFFFFC000  }
0x3f: {  	[spmem:s2] =	stream.indirect.scatter.add.f32 [tilespmem:s25], [sflag:$0x3], $0x80, s22, s22, $0xb8;
	[tilespmem:$0x1C480] =	vst v63  }
0x40: {  	_ =	swait.ge [sflag:s19], $0x4000  }
0x41: {  	[sflag:s19] =	ssyncset.done $0x0  }
0x42: {  	[sflag:s19] =	ssyncadd.s32 $0xFFFFC000  }
0x43: {  	_ =	swait.ge [sflag:s29], $0x4000  }
0x44: {  	[sflag:s29] =	ssyncset.done $0x0  }
0x45: {  	[sflag:s29] =	ssyncadd.s32 $0xFFFFC000  }
0x46: {  	[spmem:s4] =	stream.indirect.scatter.add.f32 [tilespmem:s26], [sflag:$0x3], $0x80, s23, s22, $0xb8;
	[tilespmem:$0x1C480] =	vst v63  }
0x47: {  	_ =	swait.ge [sflag:s19], $0x4000  }
0x48: {  	s31 =	simm.s32 $0x10;
	s0 =	simm.s32 $0x20;
	[sflag:s19] =	ssyncset.done $0x0  }
.LBB2_2:
0x49: {  	s7 =	sadd.s32 s31, s17  }
0x4a: {  	[sflag:s19] =	ssyncadd.s32 $0xFFFFC000;
	s8 =	smov.u32 s0;
	s3 =	sadd.s32 $0x10, s0  }
0x4b: {  	[tilespmem:s6], [sflag:$0x3] =	stream.linear.gather [hbm4b:s7+s6], $0x80, $0x38;
	[tilespmem:$0x1C480] =	vst v63  }
0x4c: {  	p2 =	sne.s32 s0, $0x4F0;
	_ =	swait.ge [sflag:s19], $0x80  }
0x4d: {  	[sflag:s19] =	ssyncset.done $0x0  }
0x4e: {  	s0 =	sadd.s32 s31, s16;
	[sflag:s19] =	ssyncadd.s32 $0xFFFFFF80  }
0x4f: {  	[tilespmem:s22], [sflag:$0x3] =	stream.linear.gather [hbm4b:s0+s6], $0x80, $0x38;
	[tilespmem:$0x1C480] =	vst v63  }
0x50: {  	_ =	swait.ge [sflag:s19], $0x80  }
0x51: {  	[sflag:s19] =	ssyncset.done $0x0  }
0x52: {  	s0 =	sadd.s32 s31, s15;
	[sflag:s19] =	ssyncadd.s32 $0xFFFFFF80  }
0x53: {  	[tilespmem:s23], [sflag:$0x3] =	stream.linear.gather [hbm4b:s0+s6], $0x80, $0x38;
	[tilespmem:$0x1C480] =	vst v63  }
0x54: {  	_ =	swait.ge [sflag:s19], $0x80  }
0x55: {  	[sflag:s19] =	ssyncset.done $0x0  }
0x56: {  	s0 =	sadd.s32 s31, s14;
	s31 =	smov.u32 s8;
	[sflag:s19] =	ssyncadd.s32 $0xFFFFFF80  }
0x57: {  	[tilespmem:s24], [sflag:$0x3] =	stream.linear.gather [hbm4b:s0+s6], $0x80, $0x38;
	[tilespmem:$0x1C480] =	vst v63  }
0x58: {  	_ =	swait.ge [sflag:s19], $0x80  }
0x59: {  	[sflag:s19] =	ssyncset.done $0x0  }
0x5a: {  	[sflag:s19] =	ssyncadd.s32 $0xFFFFFF80  }
0x5b: {  	[tilespmem:s25], [sflag:$0x1] =	stream.indirect.gather [hbm4b:s1+s22], $0x80, s6, s22, $0xb8;
	[tilespmem:$0x1C480] =	vst v63  }
0x5c: {  	_ = 	snop  }
0x5d: {  	[tilespmem:s26], [sflag:$0x2] =	stream.indirect.gather [spmem:s5], $0x80, s24, s22, $0xb8;
	[tilespmem:$0x1C480] =	vst v63  }
0x5e: {  	_ =	swait.ge [sflag:s28], $0x4000  }
0x5f: {  	[sflag:s28] =	ssyncset.done $0x0  }
0x60: {  	[sflag:s28] =	ssyncadd.s32 $0xFFFFC000  }
0x61: {  	[spmem:s2] =	stream.indirect.scatter.add.f32 [tilespmem:s25], [sflag:$0x3], $0x80, s22, s22, $0xb8;
	[tilespmem:$0x1C480] =	vst v63  }
0x62: {  	_ =	swait.ge [sflag:s19], $0x4000  }
0x63: {  	[sflag:s19] =	ssyncset.done $0x0  }
0x64: {  	[sflag:s19] =	ssyncadd.s32 $0xFFFFC000  }
0x65: {  	_ =	swait.ge [sflag:s29], $0x4000  }
.Ltmp0:
0x66: {  	[sflag:s29] =	ssyncset.done $0x0;
	(pc) =	sbr.rel @p2 .LBB2_2-.Ltmp0, $4  }
0x67: {  	[sflag:s29] =	ssyncadd.s32 $0xFFFFC000  }
0x68: {  	[spmem:s4] =	stream.indirect.scatter.add.f32 [tilespmem:s26], [sflag:$0x3], $0x80, s23, s22, $0xb8;
	[tilespmem:$0x1C480] =	vst v63  }
0x69: {  	_ =	swait.ge [sflag:s19], $0x4000  }
0x6a: {  	s0 =	smov.u32 s3;
	[sflag:s19] =	ssyncset.done $0x0  }
0x6b: {  	s0 =	sadd.s32 s31, s17;
	[sflag:s19] =	ssyncadd.s32 $0xFFFFC000  }
0x6c: {  	[tilespmem:s6], [sflag:$0x3] =	stream.linear.gather [hbm4b:s0+s6], $0x80, $0x38;
	[tilespmem:$0x1C480] =	vst v63  }
0x6d: {  	_ =	swait.ge [sflag:s19], $0x80  }
0x6e: {  	[sflag:s19] =	ssyncset.done $0x0  }
0x6f: {  	s7 =	sadd.s32 s31, s16;
	[sflag:s19] =	ssyncadd.s32 $0xFFFFFF80  }
0x70: {  	[tilespmem:s22], [sflag:$0x3] =	stream.linear.gather [hbm4b:s7+s6], $0x80, $0x38;
	[tilespmem:$0x1C480] =	vst v63  }
0x71: {  	_ =	swait.ge [sflag:s19], $0x80  }
0x72: {  	[sflag:s19] =	ssyncset.done $0x0  }
0x73: {  	s8 =	sadd.s32 s31, s15;
	[sflag:s19] =	ssyncadd.s32 $0xFFFFFF80  }
0x74: {  	[tilespmem:s23], [sflag:$0x3] =	stream.linear.gather [hbm4b:s8+s6], $0x80, $0x38;
	[tilespmem:$0x1C480] =	vst v63  }
0x75: {  	_ =	swait.ge [sflag:s19], $0x80  }
0x76: {  	[sflag:s19] =	ssyncset.done $0x0  }
0x77: {  	s31 =	sadd.s32 s31, s14;
	[sflag:s19] =	ssyncadd.s32 $0xFFFFFF80  }
0x78: {  	[tilespmem:s24], [sflag:$0x3] =	stream.linear.gather [hbm4b:s31+s6], $0x80, $0x38;
	[tilespmem:$0x1C480] =	vst v63  }
0x79: {  	_ =	swait.ge [sflag:s19], $0x80  }
0x7a: {  	[sflag:s19] =	ssyncset.done $0x0  }
0x7b: {  	[sflag:s19] =	ssyncadd.s32 $0xFFFFFF80  }
0x7c: {  	[tilespmem:s25], [sflag:$0x1] =	stream.indirect.gather [hbm4b:s1+s22], $0x80, s6, s22, $0xb8;
	[tilespmem:$0x1C480] =	vst v63  }
0x7d: {  	_ = 	snop  }
0x7e: {  	[tilespmem:s26], [sflag:$0x2] =	stream.indirect.gather [spmem:s5], $0x80, s24, s22, $0xb8;
	[tilespmem:$0x1C480] =	vst v63  }
0x7f: {  	_ =	swait.ge [sflag:s28], $0x4000  }
0x80: {  	[sflag:s28] =	ssyncset.done $0x0  }
0x81: {  	[sflag:s28] =	ssyncadd.s32 $0xFFFFC000  }
0x82: {  	[spmem:s2] =	stream.indirect.scatter.add.f32 [tilespmem:s25], [sflag:$0x3], $0x80, s22, s22, $0xb8;
	[tilespmem:$0x1C480] =	vst v63  }
0x83: {  	_ =	swait.ge [sflag:s19], $0x4000  }
0x84: {  	[sflag:s19] =	ssyncset.done $0x0  }
0x85: {  	[sflag:s19] =	ssyncadd.s32 $0xFFFFC000  }
0x86: {  	_ =	swait.ge [sflag:s29], $0x4000  }
0x87: {  	[sflag:s29] =	ssyncset.done $0x0  }
0x88: {  	[sflag:s29] =	ssyncadd.s32 $0xFFFFC000  }
0x89: {  	[spmem:s4] =	stream.indirect.scatter.add.f32 [tilespmem:s26], [sflag:$0x3], $0x80, s23, s22, $0xb8;
	[tilespmem:$0x1C480] =	vst v63  }
0x8a: {  	_ =	swait.ge [sflag:s19], $0x4000  }
0x8b: {  	[sflag:s19] =	ssyncset.done $0x0  }
0x8c: {  	[sflag:s19] =	ssyncadd.s32 $0xFFFFC000  }
0x8d: {  	[bflag:$0x0] =	sbarrier.arrive $0xFFFF  }
0x8e: {  	[hbm:s11], [sflag:s9] =	dma.local [spmem:s18], $0x2780  }
0x8f: {  	s30 =	sadd.s32 $0x1, s30;
	_ =	swait.ge [sflag:s19], $0x2780  }
0x90: {  	p2 =	sne.s32 s30, s13;
	[sflag:s19] =	ssyncset.done $0x0  }
.Ltmp1:
0x91: {  	s0 =	simm.s32 @!p0 $0x3;
	[sflag:s19] =	ssyncadd.s32 $0xFFFFD880;
	(pc) =	sbr.rel @p2 .LBB2_1-.Ltmp1, $4  }
0x92: {  	[hbm:s12], [sflag:s9] =	dma.local @!p0 [spmem:s21], $0x80  }
0x93: {  	_ =	swait.ge @!p0 [sflag:s0], $0x80  }
0x94: {  	[sflag:s0] =	ssyncset.done @!p0 $0x0  }
0x95: {  	[sflag:s0] =	ssyncadd.s32 @!p0 $0xFFFFFF80  }
0x96: {  	_ =	sfence.sel $0x180000  }
0x97: {  	[bflag:$0x0] =	sbarrier.arrive $0xFFFF  }
0x98: {  	_ =	strace $0x90000047  }
0x99: {  	s0 =	stileid.u32;
	[bflag:$0x2] =	sbarrier.arrive $0xFFFF  }
0x9a: {  	p0 =	sne.s32 s0, $0x0;
	s0 =	rddreg [dreg:$0x5]  }
0x9b: {  	s0 =	sadd.s32 @!p0 $0x100000, s0  }
0x9c: {  	[sflag:s0] =	ssyncadd.tile.s32 @!p0 $0x1;
	_ =	shalt  }
.Lfunc_end2:
_tile_overlayer_lowered:
.L_overlay_start_2:
0x9d: {  	(tag) =	ssettag $0x2  }
0x9e: {  	s0 =	rddreg [dreg:$0x0];
	s2 =	stileid.u32  }
0x9f: {  	s1 =	rddreg [dreg:$0x1];
	p0 =	sne.s32 s2, $0x0  }
0xa0: {  	s3 =	rddreg [dreg:$0x2];
	[bflag:$0x3] =	sbarrier.arrive $0xFFFF;
	s2 =	simm.s32 @!p0 $0x1C03  }
0xa1: {  	[timem:s3], [sflag:s2] =	dma.local @!p0 [hbm:s0], s1  }
0xa2: {  	s0 =	simm.s32 @!p0 $0x3  }
0xa3: {  	_ =	swait.ge @!p0 [sflag:s0], s1  }
0xa4: {  	s1 =	ssub.s32 @!p0 $0x0, s1;
	[sflag:s0] =	ssyncset.done @!p0 $0x0  }
0xa5: {  	[sflag:s0] =	ssyncadd.s32 @!p0 s1  }
0xa6: {  	[bflag:$0x3] =	sbarrier.arrive $0xFFFF  }
0xa7: {  	_ =	shalt  }

// kernel: kernel.9.cloned.1.call-start
scs
__scs_entry_jumppad:
0x0: {  	(pc) =	sbr.rel $0x88, $3  }
0x1: {  	(tag) =	ssettag $0x0;
	lr =	simm.s32 $0x1  }
0x2: {  	[smem:$0x3F8E] =	sst lr;
	_ =	strace $0xD0000000  }
0x3: {  	_ = 	snop  }
0x4: {  	_ = 	snop  }
0x5: {  	_ = 	snop  }
0x6: {  	_ = 	snop  }
0x7: {  	_ = 	snop  }
__scs_overlays_trampoline_lowered:
0x8: {  	[smem:$0x3F9D] =	sst s0  }
0x9: {  	[smem:$0x3F9E] =	sst s1  }
0xa: {  	[smem:$0x3F9F] =	sst s2  }
0xb: {  	[smem:$0x3FA0] =	sst s3  }
0xc: {  	[smem:$0x3FA1] =	sst s4  }
0xd: {  	[smem:$0x3FA2] =	sst s5  }
0xe: {  	[smem:$0x3FA3] =	sst s6  }
0xf: {  	[smem:$0x3FA4] =	sst s7  }
0x10: {  	[smem:$0x3FA5] =	sst s8  }
0x11: {  	[smem:$0x3FA6] =	sst s9;
	s0 =	simm.s32 @!p0 $0x0  }
0x12: {  	s1 =	sld [smem:$0x3F8C];
	s0 =	simm.s32 @p0 $0x1  }
0x13: {  	[smem:$0x3FA7] =	sst s0;
	s0 =	simm.s32 @!p1 $0x0  }
0x14: {  	s2 =	sld [smem:$0x3F8B];
	s0 =	simm.s32 @p1 $0x1  }
0x15: {  	[smem:$0x3FA8] =	sst s0;
	s0 =	simm.s32 @!p2 $0x0  }
0x16: {  	s3 =	sld [smem:$0x3FDB];
	s0 =	simm.s32 @p2 $0x1  }
0x17: {  	s4 =	simm.s32 $0x1BF5;
	[smem:$0x3FAA] =	sst s0  }
0x18: {  	s0 =	sld [smem:$0x3F8D];
	_ =	swait.ge [sflag:s4], $0x0  }
0x19: {  	s7 =	sld [smem:$0x3F8E]  }
0x1a: {  	s8 =	sadd.s32 $0xFFFFE003, lr  }
0x1b: {  	s9 =	sadd.s32 $0xFFFFFEF7, lr;
	s5 =	simm.s32 $0xFFFFFFFF;
	p2 =	slt.u32 s8, $0xFFFFF086  }
0x1c: {  	p1 =	slt.u32 s9, $0xF7A;
	s5 =	simm.s32 @!p2 $0x0  }
0x1d: {  	s5 =	simm.s32 @p1 $0x1;
	p0 =	seq.s32 s7, s2  }
0x1e: {  	s7 =	smul.u32 @!p0 $0xF7A, s2;
	p2 =	seq.s32 @!p0 s5, $0x0  }
0x1f: {  	s9 =	smul.u32 $0xF7A, s1;
	s8 =	simm.s32 @!p0 $0x1BF5;
	p2 =	por !p2, p0  }
0x20: {  	[sflag:s8] =	ssyncset.s32 @!p0 $0xFFFFF086;
	s6 =	sadd.s32 @!p0 s3, s7;
	s7 =	simm.s32 @!p0 $0x108  }
0x21: {  	s3 =	sadd.s32 s3, s9;
	s6 =	sadd.s32 @!p0 $0x88, s6;
	s7 =	simm.s32 @p2 $0x1082  }
0x22: {  	[simem:s7], [sflag:s8] =	dma.local @!p0 [hbm:s6], $0xF7A  }
0x23: {  	s9 =	sor.u32 $0xD0000000, s2;
	s6 =	simm.s32 $0x108;
	_ =	swait.ge @!p0 [sflag:s8], $0x0  }
0x24: {  	s3 =	sadd.s32 $0x88, s3;
	s6 =	simm.s32 @!p1 $0x1082;
	[sflag:s4] =	ssyncset.s32 $0xFFFFF086  }
0x25: {  	[simem:s6], [sflag:s4] =	dma.local [hbm:s3], $0xF7A  }
0x26: {  	[smem:$0x3F8E] =	sst s1;
	(tag) =	ssettag s2;
	_ =	strace s9  }
0x27: {  	s1 =	sld [smem:$0x3F9E]  }
0x28: {  	s2 =	sld [smem:$0x3F9F]  }
0x29: {  	s4 =	sld [smem:$0x3FA1]  }
0x2a: {  	p0 =	seq.s32 s5, $0x0;
	s5 =	sld [smem:$0x3FA2]  }
0x2b: {  	s6 =	sld [smem:$0x3FA3]  }
0x2c: {  	s7 =	sld [smem:$0x3FA4]  }
0x2d: {  	s3 =	simm.s32 $0x108;
	s8 =	sld [smem:$0x3FA5]  }
0x2e: {  	s3 =	simm.s32 @!p0 $0x1082;
	s9 =	sld [smem:$0x3FA6]  }
0x2f: {  	lr =	sadd.s32 s0, s3;
	s0 =	sld [smem:$0x3F9D]  }
0x30: {  	s3 =	sld [smem:$0x3FA0]  }
0x31: {  	[smem:$0x3FA9] =	sst s10  }
0x32: {  	s10 =	sld [smem:$0x3FA7];
	_ =	sdelay $0x3  }
0x33: {  	p0 =	seq.s32 s10, $0x1;
	s10 =	sld [smem:$0x3FA9];
	_ =	sdelay $0x3  }
0x34: {  	[smem:$0x3FA9] =	sst s10  }
0x35: {  	s10 =	sld [smem:$0x3FA8];
	_ =	sdelay $0x3  }
0x36: {  	p1 =	seq.s32 s10, $0x1;
	s10 =	sld [smem:$0x3FA9];
	_ =	sdelay $0x3  }
0x37: {  	[smem:$0x3FA9] =	sst s10  }
0x38: {  	s10 =	sld [smem:$0x3FAA]  }
0x39: {  	_ = 	snop;
	(pc) =	sbr.ind lr, $3  }
0x3a: {  	_ = 	snop  }
0x3b: {  	_ = 	snop  }
0x3c: {  	p2 =	seq.s32 s10, $0x1;
	s10 =	sld [smem:$0x3FA9]  }
0x3d: {  	_ =	shalt  }
0x3e: {  	_ =	shalt  }
0x3f: {  	_ =	shalt  }
0x40: {  	_ =	shalt  }
0x41: {  	_ =	shalt  }
0x42: {  	_ =	shalt  }
0x43: {  	_ =	shalt  }
0x44: {  	_ =	shalt  }
0x45: {  	_ =	shalt  }
0x46: {  	_ =	shalt  }
0x47: {  	_ =	shalt  }
0x48: {  	_ =	shalt  }
0x49: {  	_ =	shalt  }
0x4a: {  	_ =	shalt  }
0x4b: {  	_ =	shalt  }
0x4c: {  	_ =	shalt  }
0x4d: {  	_ =	shalt  }
0x4e: {  	_ =	shalt  }
0x4f: {  	_ =	shalt  }
0x50: {  	_ =	shalt  }
0x51: {  	_ =	shalt  }
0x52: {  	_ =	shalt  }
0x53: {  	_ =	shalt  }
0x54: {  	_ =	shalt  }
0x55: {  	_ =	shalt  }
0x56: {  	_ =	shalt  }
0x57: {  	_ =	shalt  }
0x58: {  	_ =	shalt  }
0x59: {  	_ =	shalt  }
0x5a: {  	_ =	shalt  }
0x5b: {  	_ =	shalt  }
0x5c: {  	_ =	shalt  }
0x5d: {  	_ =	shalt  }
0x5e: {  	_ =	shalt  }
0x5f: {  	_ =	shalt  }
0x60: {  	_ =	shalt  }
0x61: {  	_ =	shalt  }
0x62: {  	_ =	shalt  }
0x63: {  	_ =	shalt  }
0x64: {  	_ =	shalt  }
0x65: {  	_ =	shalt  }
0x66: {  	_ =	shalt  }
0x67: {  	_ =	shalt  }
0x68: {  	_ =	shalt  }
0x69: {  	_ =	shalt  }
0x6a: {  	_ =	shalt  }
0x6b: {  	_ =	shalt  }
0x6c: {  	_ =	shalt  }
0x6d: {  	_ =	shalt  }
0x6e: {  	_ =	shalt  }
0x6f: {  	_ =	shalt  }
0x70: {  	_ =	shalt  }
0x71: {  	_ =	shalt  }
0x72: {  	_ =	shalt  }
0x73: {  	_ =	shalt  }
0x74: {  	_ =	shalt  }
0x75: {  	_ =	shalt  }
0x76: {  	_ =	shalt  }
0x77: {  	_ =	shalt  }
0x78: {  	_ =	shalt  }
0x79: {  	_ =	shalt  }
0x7a: {  	_ =	shalt  }
0x7b: {  	_ =	shalt  }
0x7c: {  	_ =	shalt  }
0x7d: {  	_ =	shalt  }
0x7e: {  	_ =	shalt  }
0x7f: {  	_ =	shalt  }
0x80: {  	_ =	shalt  }
0x81: {  	_ =	shalt  }
0x82: {  	_ =	shalt  }
0x83: {  	_ =	shalt  }
0x84: {  	_ =	shalt  }
0x85: {  	_ =	shalt  }
0x86: {  	_ =	shalt  }
0x87: {  	_ =	shalt  }
.Lfunc_end0:
.L_simem_size_0:
called_computation.1_lowered:
.L_overlay_start_0:
0x88: {  	s2 =	sld [smem:$0x3FD9]  }
0x89: {  	s3 =	sld [smem:$0x3FFE];
	_ =	sdelay $0x1  }
0x8a: {  	s1 =	srdreg.scid  }
0x8b: {  	s0 =	sand.u32 $0x1, s1  }
0x8c: {  	s16 =	sshll.u32 s0, $0xA;
	s2 =	sadd.s32 s3, s2  }
0x8d: {  	s2 =	sadd.s32 s2, s16  }
0x8e: {  	[smem:$0x3FB5] =	sst s2  }
0x8f: {  	_ = 	snop  }
0x90: {  	(tm) =	ssettm $0x1  }
0x91: {  	s17 =	sld [smem:$0x3FFB];
	_ =	sdelay $0x3  }
0x92: {  	_ =	strace s17  }
0x93: {  	s2 =	sld [smem:$0x3FFC];
	_ =	sdelay $0x3  }
0x94: {  	_ =	strace s2  }
0x95: {  	s2 =	sld [smem:$0x3FFD];
	_ =	sdelay $0x3  }
0x96: {  	_ =	strace s2  }
0x97: {  	_ =	strace $0x8FFFFFFF  }
0x98: {  	s18 =	sld [smem:$0x3FDB];
	_ =	sdelay $0x1  }
0x99: {  	s19 =	simm.s32 $_scs_section_size  }
0x9a: {  	s4 =	simm.s32 $_size__tile_overlayer_lowered;
	s5 =	simm.s32 $_tile_overlayer_lowered  }
0x9b: {  	s22 =	simm.s32 $0x1BFF;
	s21 =	sshll.u32 s5, $0x1;
	s2 =	sadd.s32 s19, s18  }
0x9c: {  	s6 =	simm.s32 $0x0;
	s20 =	sshll.u32 s4, $0x1;
	s4 =	sadd.s32 s21, s2  }
0x9d: {  	[timem:s6], [sflag:s22] =	dma.local [hbm:s4], s20  }
0x9e: {  	_ =	swait.ge [sflag:s22], s20  }
0x9f: {  	s3 =	ssub.s32 $0x0, s20;
	[sflag:s22] =	ssyncset.done $0x0  }
0xa0: {  	[sflag:s22] =	ssyncadd.s32 s3;
	_ =	sdelay $0x1  }
0xa1: {  	s23 =	simm.s32 $0x1B8B  }
0xa2: {  	_ =	swait.ge [sflag:s23], $0x1  }
0xa3: {  	[sflag:s23] =	ssyncset.done $0x0  }
0xa4: {  	s25 =	simm.s32 $0x1B8E;
	s24 =	sld [smem:$0x3FFE];
	[sflag:s23] =	ssyncadd.s32 $0xFFFFFFFF  }
0xa5: {  	s26 =	simm.s32 $execute0_lowered;
	[smem:$0x3FD2] =	sst s25  }
0xa6: {  	s4 =	sshll.u32 s26, $0x1;
	_ =	strace $0x80000049;
	[dreg:$0x1] =	wrdreg $0xFFFFFFFF  }
0xa7: {  	s28 =	simm.s32 $_size_execute0_lowered;
	s2 =	sadd.s32 s2, s4;
	[dreg:$0x0] =	wrdreg $0x0  }
0xa8: {  	s4 =	sshll.u32 s28, $0x1;
	[dreg:$0x2] =	wrdreg s2  }
0xa9: {  	[dreg:$0x3] =	wrdreg s4  }
0xaa: {  	[dreg:$0x4] =	wrdreg $0xC0  }
0xab: {  	_ =	task [dreg:s6], $0x5FFFF  }
0xac: {  	[dreg:$0x1] =	wrdreg $0xFFFFFFFF  }
0xad: {  	[dreg:$0x0] =	wrdreg $0x60  }
0xae: {  	[dreg:$0x2] =	wrdreg s24  }
0xaf: {  	[dreg:$0x3] =	wrdreg $0x82000  }
0xb0: {  	[dreg:$0x4] =	wrdreg $0x9  }
0xb1: {  	_ =	task.clear_ibuf [dreg:s6], $0x5FFFF;
	_ =	strace $0x90000049  }
0xb2: {  	s29 =	simm.s32 $0x9;
	_ =	strace $0x8000004B  }
0xb3: {  	_ =	swait.ge [sflag:s29], $0x1  }
0xb4: {  	[sflag:s29] =	ssyncadd.s32 $0xFFFFFFFF  }
0xb5: {  	_ =	strace $0x9000004B  }
0xb6: {  	_ =	sfence  }
0xb7: {  	s30 =	sld [smem:$0x0];
	_ =	sdelay $0x2  }
0xb8: {  	s31 =	sshll.u32 s1, $0xD;
	s1 =	sshrl.u32 s1, $0x2  }
0xb9: {  	s3 =	sand.u32 $0x4000, s31;
	s1 =	sadd.s32 s1, s30  }
0xba: {  	s0 =	sor.u32 s3, s0;
	s1 =	sshll.u32 s1, $0x11  }
0xbb: {  	s0 =	sor.u32 s1, s0  }
0xbc: {  	s0 =	sadd.s32 $0x8F2B, s0  }
0xbd: {  	[sflag:s0] =	ssyncadd.remote.s32 $0x1  }
0xbe: {  	_ =	sfence.sel $0xFFFF  }
0xbf: {  	[dreg:$0x0] =	wrdreg $0xFFFFFFFF;
	(pc) =	sbr.abs _section_cstart, $3  }
0xc0: {  	[dreg:$0x1] =	wrdreg $0xFFFFFFFF  }
0xc1: {  	_ =	task.clear_ibuf [dreg:s6], $0x2FFFF;
	_ =	strace $0x9FFFFFFF  }
0xc2: {  	(tm) =	ssettm $0x7FFFFFFF  }
0xc3: {  	_ =	shalt  }
tec
execute0_lowered:
.L_overlay_start_1:
0x0: {  	(tag) =	ssettag $0x1  }
0x1: {  	s5 =	rddreg [dreg:$0x0]  }
0x2: {  	s2 =	rddreg [dreg:$0x1]  }
0x3: {  	s0 =	srdreg.scid;
	s1 =	rddreg [dreg:$0x2];
	s3 =	simm.s32 $0x0  }
0x4: {  	s12 =	simm.s32 $0x3;
	s13 =	simm.s32 $0x100;
	s14 =	simm.s32 $0x80  }
0x5: {  	s15 =	simm.s32 $0x200;
	s16 =	simm.s32 $0x180;
	s17 =	simm.s32 $0x4200  }
0x6: {  	s18 =	simm.s32 $0x1;
	s6 =	sand.u32 $0x1, s0;
	s0 =	stileid.u32  }
0x7: {  	s19 =	simm.s32 $0x2;
	[smem:$0x7FF] =	sst s3;
	s4 =	smul.u32 $0x28000, s6  }
0x8: {  	s20 =	simm.s32 $0x0;
	s7 =	smul.u32 $0x2800, s0;
	_ =	strace $0x8000004A  }
0x9: {  	s29 =	sshll.u32 s0, $0x7;
	s8 =	ssub.s32 $0x2, s6;
	s9 =	sshll.u32 s0, $0xA  }
0xa: {  	s6 =	sshll.u32 s6, $0xB;
	s31 =	sshll.u32 s0, $0x6;
	s30 =	sshrl.u32 s8, $0x1  }
0xb: {  	s11 =	sadd.s32 s9, s2;
	s7 =	sadd.s32 s7, s4;
	s4 =	sadd.s32 $0xE400, s5  }
0xc: {  	s8 =	ssub.s32 s8, s30;
	s11 =	sshrl.u32 s11, $0x3;
	s7 =	sshrl.u32 s7, $0x3  }
0xd: {  	s8 =	smax.u32 s8, $0x1;
	s10 =	sadd.s32 s7, s5;
	s7 =	sadd.s32 s29, s5  }
0xe: {  	s5 =	sadd.s32 $0x3C00, s7;
	s7 =	sadd.s32 s6, s7;
	s6 =	sor.u32 $0x1C03, s31  }
0xf: {  	s9 =	sadd.s32 $0x4400, s10;
	s10 =	sadd.s32 $0xA3C00, s10;
	s7 =	sadd.s32 $0x35600, s7  }
.LBB2_1:
0x10: {  	[spmem:s11], [sflag:s6] =	dma.local [hbm:s5], $0x80  }
0x11: {  	_ =	swait.ge [sflag:s12], $0x80  }
0x12: {  	[sflag:s12] =	ssyncset.done $0x0  }
0x13: {  	[sflag:s12] =	ssyncadd.s32 $0xFFFFFF80  }
0x14: {  	s21 =	sadd.s32 $0x0, s9;
	[bflag:$0x0] =	sbarrier.arrive $0xFFFF  }
0x15: {  	[tilespmem:s3], [sflag:$0x3] =	stream.linear.gather [hbm4b:s21+s3], $0x80, $0x38;
	[tilespmem:$0x8600] =	vst v63  }
0x16: {  	_ =	swait.ge [sflag:s12], $0x80  }
0x17: {  	[sflag:s12] =	ssyncset.done $0x0  }
0x18: {  	s22 =	sadd.s32 $0x0, s10;
	[sflag:s12] =	ssyncadd.s32 $0xFFFFFF80  }
0x19: {  	[tilespmem:s13], [sflag:$0x3] =	stream.linear.gather [hbm4b:s22+s3], $0x80, $0x38;
	[tilespmem:$0x8600] =	vst v63  }
0x1a: {  	_ =	swait.ge [sflag:s12], $0x80  }
0x1b: {  	[sflag:s12] =	ssyncset.done $0x0  }
0x1c: {  	[sflag:s12] =	ssyncadd.s32 $0xFFFFFF80  }
0x1d: {  	[tilespmem:s15], [sflag:$0x1] =	stream.indirect.gather [hbm4b:s4+s14], $0x80, s3, s14, $0xb8;
	[tilespmem:$0x8600] =	vst v63  }
0x1e: {  	s21 =	sadd.s32 $0x10, s21  }
0x1f: {  	[tilespmem:s14], [sflag:$0x3] =	stream.linear.gather [hbm4b:s21+s3], $0x80, $0x38;
	[tilespmem:$0x8600] =	vst v63  }
0x20: {  	_ =	swait.ge [sflag:s12], $0x80  }
0x21: {  	[sflag:s12] =	ssyncset.done $0x0  }
0x22: {  	s31 =	sadd.s32 $0x10, s22;
	[sflag:s12] =	ssyncadd.s32 $0xFFFFFF80  }
0x23: {  	[tilespmem:s16], [sflag:$0x3] =	stream.linear.gather [hbm4b:s31+s3], $0x80, $0x38;
	[tilespmem:$0x8600] =	vst v63  }
0x24: {  	_ =	swait.ge [sflag:s12], $0x80  }
0x25: {  	[sflag:s12] =	ssyncset.done $0x0  }
0x26: {  	[sflag:s12] =	ssyncadd.s32 $0xFFFFFF80  }
0x27: {  	[tilespmem:s17], [sflag:$0x2] =	stream.indirect.gather [hbm4b:s4+s14], $0x80, s14, s14, $0xb8;
	[tilespmem:$0x8600] =	vst v63  }
0x28: {  	_ =	swait.ge [sflag:s18], $0x4000  }
0x29: {  	[sflag:s18] =	ssyncset.done $0x0  }
0x2a: {  	[sflag:s18] =	ssyncadd.s32 $0xFFFFC000  }
0x2b: {  	[spmem:s2] =	stream.indirect.scatter.add.f32 [tilespmem:s15], [sflag:$0x3], $0x80, s13, s14, $0xb8;
	[tilespmem:$0x8600] =	vst v63  }
0x2c: {  	_ =	swait.ge [sflag:s12], $0x4000  }
0x2d: {  	[sflag:s12] =	ssyncset.done $0x0  }
0x2e: {  	[sflag:s12] =	ssyncadd.s32 $0xFFFFC000  }
0x2f: {  	_ =	swait.ge [sflag:s19], $0x4000  }
0x30: {  	[sflag:s19] =	ssyncset.done $0x0  }
0x31: {  	[sflag:s19] =	ssyncadd.s32 $0xFFFFC000  }
0x32: {  	[spmem:s2] =	stream.indirect.scatter.add.f32 [tilespmem:s17], [sflag:$0x3], $0x80, s16, s14, $0xb8;
	[tilespmem:$0x8600] =	vst v63  }
0x33: {  	_ =	swait.ge [sflag:s12], $0x4000  }
0x34: {  	s23 =	simm.s32 $0x40;
	s21 =	simm.s32 $0x20;
	[sflag:s12] =	ssyncset.done $0x0  }
.LBB2_2:
0x35: {  	s24 =	sadd.s32 s21, s9  }
0x36: {  	[sflag:s12] =	ssyncadd.s32 $0xFFFFC000;
	s25 =	smov.u32 s23;
	s22 =	sadd.s32 $0x20, s23  }
0x37: {  	[tilespmem:s3], [sflag:$0x3] =	stream.linear.gather [hbm4b:s24+s3], $0x80, $0x38;
	[tilespmem:$0x8600] =	vst v63  }
0x38: {  	p0 =	sne.s32 s23, $0x4E0;
	_ =	swait.ge [sflag:s12], $0x80  }
0x39: {  	[sflag:s12] =	ssyncset.done $0x0  }
0x3a: {  	s23 =	sadd.s32 s21, s10;
	s21 =	smov.u32 s25;
	[sflag:s12] =	ssyncadd.s32 $0xFFFFFF80  }
0x3b: {  	[tilespmem:s13], [sflag:$0x3] =	stream.linear.gather [hbm4b:s23+s3], $0x80, $0x38;
	[tilespmem:$0x8600] =	vst v63  }
0x3c: {  	_ =	swait.ge [sflag:s12], $0x80  }
0x3d: {  	[sflag:s12] =	ssyncset.done $0x0  }
0x3e: {  	[sflag:s12] =	ssyncadd.s32 $0xFFFFFF80  }
0x3f: {  	[tilespmem:s15], [sflag:$0x1] =	stream.indirect.gather [hbm4b:s4+s14], $0x80, s3, s14, $0xb8;
	[tilespmem:$0x8600] =	vst v63  }
0x40: {  	s24 =	sadd.s32 $0x10, s24  }
0x41: {  	[tilespmem:s14], [sflag:$0x3] =	stream.linear.gather [hbm4b:s24+s3], $0x80, $0x38;
	[tilespmem:$0x8600] =	vst v63  }
0x42: {  	_ =	swait.ge [sflag:s12], $0x80  }
0x43: {  	[sflag:s12] =	ssyncset.done $0x0  }
0x44: {  	s23 =	sadd.s32 $0x10, s23;
	[sflag:s12] =	ssyncadd.s32 $0xFFFFFF80  }
0x45: {  	[tilespmem:s16], [sflag:$0x3] =	stream.linear.gather [hbm4b:s23+s3], $0x80, $0x38;
	[tilespmem:$0x8600] =	vst v63  }
0x46: {  	_ =	swait.ge [sflag:s12], $0x80  }
0x47: {  	[sflag:s12] =	ssyncset.done $0x0  }
0x48: {  	[sflag:s12] =	ssyncadd.s32 $0xFFFFFF80  }
0x49: {  	[tilespmem:s17], [sflag:$0x2] =	stream.indirect.gather [hbm4b:s4+s14], $0x80, s14, s14, $0xb8;
	[tilespmem:$0x8600] =	vst v63  }
0x4a: {  	_ =	swait.ge [sflag:s18], $0x4000  }
0x4b: {  	[sflag:s18] =	ssyncset.done $0x0  }
0x4c: {  	[sflag:s18] =	ssyncadd.s32 $0xFFFFC000  }
0x4d: {  	[spmem:s2] =	stream.indirect.scatter.add.f32 [tilespmem:s15], [sflag:$0x3], $0x80, s13, s14, $0xb8;
	[tilespmem:$0x8600] =	vst v63  }
0x4e: {  	_ =	swait.ge [sflag:s12], $0x4000  }
0x4f: {  	[sflag:s12] =	ssyncset.done $0x0  }
0x50: {  	[sflag:s12] =	ssyncadd.s32 $0xFFFFC000  }
0x51: {  	_ =	swait.ge [sflag:s19], $0x4000  }
.Ltmp0:
0x52: {  	[sflag:s19] =	ssyncset.done $0x0;
	(pc) =	sbr.rel @p0 .LBB2_2-.Ltmp0, $4  }
0x53: {  	[sflag:s19] =	ssyncadd.s32 $0xFFFFC000  }
0x54: {  	[spmem:s2] =	stream.indirect.scatter.add.f32 [tilespmem:s17], [sflag:$0x3], $0x80, s16, s14, $0xb8;
	[tilespmem:$0x8600] =	vst v63  }
0x55: {  	_ =	swait.ge [sflag:s12], $0x4000  }
0x56: {  	s23 =	smov.u32 s22;
	[sflag:s12] =	ssyncset.done $0x0  }
0x57: {  	s22 =	sadd.s32 s21, s9;
	[sflag:s12] =	ssyncadd.s32 $0xFFFFC000  }
0x58: {  	[tilespmem:s3], [sflag:$0x3] =	stream.linear.gather [hbm4b:s22+s3], $0x80, $0x38;
	[tilespmem:$0x8600] =	vst v63  }
0x59: {  	_ =	swait.ge [sflag:s12], $0x80  }
0x5a: {  	[sflag:s12] =	ssyncset.done $0x0  }
0x5b: {  	s31 =	sadd.s32 s21, s10;
	[sflag:s12] =	ssyncadd.s32 $0xFFFFFF80  }
0x5c: {  	[tilespmem:s13], [sflag:$0x3] =	stream.linear.gather [hbm4b:s31+s3], $0x80, $0x38;
	[tilespmem:$0x8600] =	vst v63  }
0x5d: {  	_ =	swait.ge [sflag:s12], $0x80  }
0x5e: {  	[sflag:s12] =	ssyncset.done $0x0  }
0x5f: {  	[sflag:s12] =	ssyncadd.s32 $0xFFFFFF80  }
0x60: {  	[tilespmem:s15], [sflag:$0x1] =	stream.indirect.gather [hbm4b:s4+s14], $0x80, s3, s14, $0xb8;
	[tilespmem:$0x8600] =	vst v63  }
0x61: {  	s22 =	sadd.s32 $0x10, s22  }
0x62: {  	[tilespmem:s14], [sflag:$0x3] =	stream.linear.gather [hbm4b:s22+s3], $0x80, $0x38;
	[tilespmem:$0x8600] =	vst v63  }
0x63: {  	_ =	swait.ge [sflag:s12], $0x80  }
0x64: {  	[sflag:s12] =	ssyncset.done $0x0  }
0x65: {  	s21 =	sadd.s32 $0x10, s31;
	[sflag:s12] =	ssyncadd.s32 $0xFFFFFF80  }
0x66: {  	[tilespmem:s16], [sflag:$0x3] =	stream.linear.gather [hbm4b:s21+s3], $0x80, $0x38;
	[tilespmem:$0x8600] =	vst v63  }
0x67: {  	_ =	swait.ge [sflag:s12], $0x80  }
0x68: {  	[sflag:s12] =	ssyncset.done $0x0  }
0x69: {  	[sflag:s12] =	ssyncadd.s32 $0xFFFFFF80  }
0x6a: {  	[tilespmem:s17], [sflag:$0x2] =	stream.indirect.gather [hbm4b:s4+s14], $0x80, s14, s14, $0xb8;
	[tilespmem:$0x8600] =	vst v63  }
0x6b: {  	_ =	swait.ge [sflag:s18], $0x4000  }
0x6c: {  	[sflag:s18] =	ssyncset.done $0x0  }
0x6d: {  	[sflag:s18] =	ssyncadd.s32 $0xFFFFC000  }
0x6e: {  	[spmem:s2] =	stream.indirect.scatter.add.f32 [tilespmem:s15], [sflag:$0x3], $0x80, s13, s14, $0xb8;
	[tilespmem:$0x8600] =	vst v63  }
0x6f: {  	_ =	swait.ge [sflag:s12], $0x4000  }
0x70: {  	[sflag:s12] =	ssyncset.done $0x0  }
0x71: {  	[sflag:s12] =	ssyncadd.s32 $0xFFFFC000  }
0x72: {  	_ =	swait.ge [sflag:s19], $0x4000  }
0x73: {  	[sflag:s19] =	ssyncset.done $0x0  }
0x74: {  	[sflag:s19] =	ssyncadd.s32 $0xFFFFC000  }
0x75: {  	[spmem:s2] =	stream.indirect.scatter.add.f32 [tilespmem:s17], [sflag:$0x3], $0x80, s16, s14, $0xb8;
	[tilespmem:$0x8600] =	vst v63  }
0x76: {  	_ =	swait.ge [sflag:s12], $0x4000  }
0x77: {  	s20 =	sadd.s32 $0x1, s20;
	[sflag:s12] =	ssyncset.done $0x0  }
0x78: {  	p0 =	sne.s32 s20, s8;
	[sflag:s12] =	ssyncadd.s32 $0xFFFFC000  }
.Ltmp1:
0x79: {  	[bflag:$0x0] =	sbarrier.arrive $0xFFFF;
	(pc) =	sbr.rel @p0 .LBB2_1-.Ltmp1, $4  }
0x7a: {  	[hbm:s7], [sflag:s6] =	dma.local [spmem:s11], $0x80  }
0x7b: {  	_ =	swait.ge [sflag:s12], $0x80  }
0x7c: {  	[sflag:s12] =	ssyncset.done $0x0  }
0x7d: {  	[sflag:s12] =	ssyncadd.s32 $0xFFFFFF80  }
0x7e: {  	_ =	sfence.sel $0x180000  }
0x7f: {  	[bflag:$0x0] =	sbarrier.arrive $0xFFFF  }
0x80: {  	p0 =	sne.s32 s0, $0x0;
	_ =	strace $0x9000004A  }
0x81: {  	s0 =	sadd.s32 @!p0 $0x100000, s1;
	[bflag:$0x2] =	sbarrier.arrive $0xFFFF  }
0x82: {  	[sflag:s0] =	ssyncadd.tile.s32 @!p0 $0x1;
	_ =	shalt  }
.Lfunc_end2:
_tile_overlayer_lowered:
.L_overlay_start_2:
0x83: {  	(tag) =	ssettag $0x2  }
0x84: {  	s0 =	rddreg [dreg:$0x0];
	s2 =	stileid.u32  }
0x85: {  	s1 =	rddreg [dreg:$0x1];
	p0 =	sne.s32 s2, $0x0  }
0x86: {  	s3 =	rddreg [dreg:$0x2];
	[bflag:$0x3] =	sbarrier.arrive $0xFFFF;
	s2 =	simm.s32 @!p0 $0x1C03  }
0x87: {  	[timem:s3], [sflag:s2] =	dma.local @!p0 [hbm:s0], s1  }
0x88: {  	s0 =	simm.s32 @!p0 $0x3  }
0x89: {  	_ =	swait.ge @!p0 [sflag:s0], s1  }
0x8a: {  	s1 =	ssub.s32 @!p0 $0x0, s1;
	[sflag:s0] =	ssyncset.done @!p0 $0x0  }
0x8b: {  	[sflag:s0] =	ssyncadd.s32 @!p0 s1  }
0x8c: {  	[bflag:$0x3] =	sbarrier.arrive $0xFFFF  }
0x8d: {  	_ =	shalt  }

</sc_bundles>
